<compile_context>
chip_gen: v7x
topology: tpu7x:2x2x1
jax: 0.10.2.dev20260603
libtpu: 0.0.44.dev20260713+nightly
codegen_flags: <defaults>
</compile_context>

<pallas_src>
import functools

import jax
import jax.numpy as jnp
from jax import lax
from jax.experimental import pallas as pl
from jax.experimental.pallas import tpu as pltpu
from jax.experimental.pallas import tpu_sc as plsc

B = 32
A = 8732
C = 85
AB = 8736
NBLK = 1
APAD = NBLK * AB
NEG_FACTOR_K = 3
I32_MIN = -(2 ** 31)


def _stage_a_body(pos_ref, pred_ref, gts_ref,
                  keys_ref, ce_ref, loc_ref, posce_ref, n_ref):
    b = pl.program_id(0)
    a = pl.program_id(1)
    x = pred_ref[0]
    g = gts_ref[0]
    p = pos_ref[0]

    xT = x.T
    gT = g.T

    sub = jax.lax.broadcasted_iota(jnp.int32, (C, AB), 0)
    lanev = jax.lax.broadcasted_iota(jnp.int32, (1, AB), 1)
    valid = (a * AB + lanev) < A
    posb = (p > 0) & valid

    d = xT[0:8, :] - gT[0:8, :]
    ad = jnp.abs(d)
    sl1 = jnp.where(sub[0:8, :] < 4,
                    jnp.where(ad < 1.0, 0.5 * d * d, ad - 0.5), 0.0)
    locv = jnp.sum(sl1, axis=0, keepdims=True)

    isc = sub >= 4
    xm = jnp.where(isc, xT, -jnp.inf)
    m = jnp.max(xm, axis=0, keepdims=True)
    e = jnp.exp(xm - m)
    s = jnp.sum(e, axis=0, keepdims=True)
    lse = jnp.log(s) + m
    bg = xT[C - 1:C, :]
    bl = jnp.maximum(lse - bg, 0.0)

    gm = jnp.where(isc, gT, -jnp.inf)
    gmax = jnp.max(gm, axis=0, keepdims=True)
    lab = jnp.min(jnp.where(gm == gmax, sub, 2 * C),
                  axis=0, keepdims=True)
    pa = jnp.sum(jnp.where(sub == lab, xT, 0.0), axis=0, keepdims=True)
    ce = lse - pa

    kbits = jax.lax.bitcast_convert_type(bl, jnp.int32)
    key = jnp.where(posb, I32_MIN, kbits)
    key = jnp.where(valid, key, -1)

    keys_ref[0] = key
    ce_ref[0] = ce

    @pl.when((b == 0) & (a == 0))
    def _():
        loc_ref[...] = jnp.zeros_like(loc_ref)
        posce_ref[...] = jnp.zeros_like(posce_ref)
        n_ref[...] = jnp.zeros_like(n_ref)

    loc_ref[...] += jnp.sum(jnp.where(posb, locv, 0.0))
    posce_ref[...] += jnp.sum(jnp.where(posb, ce, 0.0))
    n_ref[...] += jnp.sum(jnp.where(posb, 1.0, 0.0))


NCH = APAD // 16
_RADIX_DIGITS = ((23, 8), (15, 8), (7, 8), (0, 7))


_GDN = lax.GatherDimensionNumbers(
    offset_dims=(), collapsed_slice_dims=(0,), start_index_map=(0,))


def _splat_last(x):
    idx = jnp.full((16, 1), 15, jnp.int32)
    return lax.gather(x, idx, dimension_numbers=_GDN, slice_sizes=(1,),
                      mode=lax.GatherScatterMode.PROMISE_IN_BOUNDS)


def _sc_topk_body(keys_hbm, ce_hbm, out_hbm, keys_v, ce_v, hist, out_v):
    wid = lax.axis_index("s") * 2 + lax.axis_index("c")
    pltpu.sync_copy(keys_hbm.at[wid], keys_v)
    pltpu.sync_copy(ce_hbm.at[wid], ce_v)

    lane = lax.iota(jnp.int32, 16)
    z16i = jnp.zeros((16,), jnp.int32)
    ones16 = jnp.ones((16,), jnp.int32)
    laneh = lane * 256

    pref = z16i
    r = None
    k = None
    for sh, w in _RADIX_DIGITS:
        top = sh + w
        maskw = (1 << w) - 1

        def zb(i, c):
            hist[pl.ds(i * 16, 16)] = z16i
            return c

        lax.fori_loop(0, (16 * 256) // 16, zb, 0)

        prefsh = lax.shift_right_arithmetic(pref, top)

        if r is None:
            def hb1(i, acc):
                kv = keys_v[pl.ds(i * 16, 16)]
                mv = lax.shift_right_arithmetic(kv, top) == prefsh
                bucket = jnp.bitwise_and(
                    lax.shift_right_arithmetic(kv, sh), maskw)
                plsc.addupdate_scatter(hist, [laneh + bucket], ones16, mask=mv)
                return acc + plsc.all_reduce_population_count(kv == I32_MIN)

            pos_num = lax.fori_loop(0, NCH, hb1, z16i)
            k = jnp.minimum(A - pos_num, NEG_FACTOR_K * pos_num)
            r = k
        else:
            def hb(i, c):
                kv = keys_v[pl.ds(i * 16, 16)]
                mv = lax.shift_right_arithmetic(kv, top) == prefsh
                bucket = jnp.bitwise_and(
                    lax.shift_right_arithmetic(kv, sh), maskw)
                plsc.addupdate_scatter(hist, [laneh + bucket], ones16, mask=mv)
                return c

            lax.fori_loop(0, NCH, hb, 0)

        def sb(j, carry):
            run, cmax, smax = carry
            c = 15 - j
            t = z16i
            for l in range(16):
                t = t + hist[pl.ds(l * 256 + c * 16, 16)]
            ps = plsc.cumsum(t)
            csum = _splat_last(ps)
            sfxv = (run + csum - ps) + t
            ids = c * 16 + lane
            m = sfxv >= r
            idsh = lax.shift_left(ids, 14)
            cmax = jnp.maximum(cmax, jnp.where(m, idsh | t, -1))
            smax = jnp.maximum(smax, jnp.where(m, idsh | sfxv, -1))
            return (run + csum, cmax, smax)

        neg1 = jnp.full((16,), -1, jnp.int32)
        _, cmaxv, smaxv = lax.fori_loop(0, 16, sb, (z16i, neg1, neg1))
        cpack = _splat_last(plsc.cummax(cmaxv))
        spack = _splat_last(plsc.cummax(smaxv))
        bstar = lax.shift_right_logical(cpack, 14)
        cnt_b = jnp.bitwise_and(cpack, 0x3FFF)
        sfx_b = jnp.bitwise_and(spack, 0x3FFF)
        r = r - (sfx_b - cnt_b)
        pref = jnp.bitwise_or(pref, lax.shift_left(bstar, sh))

    vstar = pref
    need = r

    def fb(i, carry):
        acc, cnt_eq = carry
        kv = keys_v[pl.ds(i * 16, 16)]
        cv = ce_v[pl.ds(i * 16, 16)]
        acc = acc + jnp.where(kv > vstar, cv, 0.0)
        eqm = kv == vstar
        eqi = jnp.where(eqm, ones16, z16i)
        pe = plsc.cumsum(eqi)
        excl = cnt_eq + pe - eqi
        sel = eqm & (excl < need)
        acc = acc + jnp.where(sel, cv, 0.0)
        cnt_eq = cnt_eq + plsc.all_reduce_population_count(eqm)
        return (acc, cnt_eq)

    accv, _ = lax.fori_loop(
        0, NCH, fb, (jnp.zeros((16,), jnp.float32), z16i))

    out_v[...] = accv
    pltpu.sync_copy(out_v, out_hbm.at[wid])


@functools.partial(
    pl.kernel,
    mesh=plsc.VectorSubcoreMesh(core_axis_name="c", subcore_axis_name="s"),
    compiler_params=pltpu.CompilerParams(needs_layout_passes=False),
    out_type=jax.ShapeDtypeStruct((B, 16), jnp.float32),
    scratch_types=[
        pltpu.VMEM((APAD,), jnp.int32),
        pltpu.VMEM((APAD,), jnp.float32),
        pltpu.VMEM((16 * 256,), jnp.int32),
        pltpu.VMEM((16,), jnp.float32),
    ],
)
def _sc_topk(keys_hbm, ce_hbm, out_hbm, keys_v, ce_v, hist, out_v):
    _sc_topk_body(keys_hbm, ce_hbm, out_hbm, keys_v, ce_v, hist, out_v)


def kernel(pos_indicator, predicts, gts):
    pos = pos_indicator.astype(jnp.int32)
    pos = jnp.pad(pos, ((0, 0), (0, APAD - A)))
    posr = pos.reshape(B * NBLK, 1, AB)

    keys, cev, locsum, posce, n = pl.pallas_call(
        _stage_a_body,
        grid=(B, NBLK),
        in_specs=[
            pl.BlockSpec((1, 1, AB), lambda b, a: (b * NBLK + a, 0, 0)),
            pl.BlockSpec((1, AB, C), lambda b, a: (b, a, 0)),
            pl.BlockSpec((1, AB, C), lambda b, a: (b, a, 0)),
        ],
        out_specs=[
            pl.BlockSpec((1, 1, AB), lambda b, a: (b * NBLK + a, 0, 0)),
            pl.BlockSpec((1, 1, AB), lambda b, a: (b * NBLK + a, 0, 0)),
            pl.BlockSpec((1, 1), lambda b, a: (0, 0)),
            pl.BlockSpec((1, 1), lambda b, a: (0, 0)),
            pl.BlockSpec((1, 1), lambda b, a: (0, 0)),
        ],
        out_shape=[
            jax.ShapeDtypeStruct((B * NBLK, 1, AB), jnp.int32),
            jax.ShapeDtypeStruct((B * NBLK, 1, AB), jnp.float32),
            jax.ShapeDtypeStruct((1, 1), jnp.float32),
            jax.ShapeDtypeStruct((1, 1), jnp.float32),
            jax.ShapeDtypeStruct((1, 1), jnp.float32),
        ],
    )(posr, predicts, gts)

    keys2 = keys.reshape(B, APAD)
    ce2 = cev.reshape(B, APAD)

    negrows = _sc_topk(keys2, ce2)
    negsum = jnp.sum(negrows)

    nn = n[0, 0]
    conf_loss = (posce[0, 0] + negsum) / nn
    loc_loss = locsum[0, 0] / nn
    return (conf_loss, loc_loss)

# --- scband reference (transcript-rebuilt; emitter-appended) ---
"""Pipeline reference for scband-ssdloss-81398220194259 (READ-ONLY COPY).

The authoritative reference and input builder live on the scoring server;
editing this copy changes nothing except your own understanding.
"""

import jax, jax.numpy as jnp
import numpy as np

NEG_FACTOR = 3


def setup_inputs(seed: int = 0) -> dict:
    key = jax.random.key(seed)
    k1, k2, k3 = jax.random.split(key, 3)
    pos_indicator = jax.random.randint(k1, (32, 8732), 0, 2).astype(bool)
    predicts = jax.random.normal(k2, (32, 8732, 85), dtype=jnp.float32)
    gts = jax.random.uniform(k3, (32, 8732, 85), dtype=jnp.float32)
    return {"pos_indicator": pos_indicator, "predicts": predicts, "gts": gts}


def reference(pos_indicator, predicts, gts):
    pred_loc, pred_conf = predicts[:, :, :4], predicts[:, :, 4:]
    gt_loc, gt_conf = gts[:, :, :4], gts[:, :, 4:]

    # ---- LocalizationLoss ----
    N_loc = pos_indicator.astype(jnp.int32).sum().astype(jnp.float32)
    diff = pred_loc - gt_loc
    ad = jnp.abs(diff)
    sl1 = jnp.where(ad < 1.0, 0.5 * diff * diff, ad - 0.5).sum(axis=-1)
    loc_loss = jnp.where(pos_indicator, sl1, 0.0).sum() / N_loc

    # ---- ConfidenceLoss (hnm_batch=True) ----
    logp = jax.nn.log_softmax(pred_conf, axis=-1)
    background_loss = -logp[:, :, -1]
    background_loss = jnp.where(pos_indicator, -jnp.inf, background_loss)
    pos_num = pos_indicator.sum(axis=-1)
    N = pos_num.sum().astype(jnp.float32)
    neg_num = pred_conf.shape[1] - pos_num
    neg_num = jnp.minimum(neg_num, NEG_FACTOR * pos_num)
    # sort descending, then rank of each element
    indices = jnp.argsort(-background_loss, axis=-1)
    rank = jnp.argsort(indices, axis=-1)
    neg_indicator = rank < neg_num[:, None]
    mask = pos_indicator | neg_indicator
    labels = gt_conf.argmax(axis=-1)
    ce = -jnp.take_along_axis(logp, labels[..., None], axis=-1)[..., 0]
    conf_loss = jnp.where(mask, ce, 0.0).sum() / N

    return (conf_loss, loc_loss)

if __name__ == "__main__":
    import jax
    _d = setup_inputs()
    print(jax.jit(kernel)(*tuple(_d.values())))

</pallas_src>

<mosaic_0001>
#map = affine_map<(d0, d1) -> (0, 0)>
module attributes {stable_mosaic.version = 14 : i64} {
  func.func @_sc_topk(%arg0: i32, %arg1: i32, %arg2: memref<32x8736xi32, #tpu.memory_space<hbm>>, %arg3: memref<32x8736xf32, #tpu.memory_space<hbm>>, %arg4: memref<32x16xf32, #tpu.memory_space<hbm>>, %arg5: memref<8736xi32, #tpu.memory_space<vmem>>, %arg6: memref<8736xf32, #tpu.memory_space<vmem>>, %arg7: memref<4096xi32, #tpu.memory_space<vmem>>, %arg8: memref<16xf32, #tpu.memory_space<vmem>>) attributes {dimension_semantics = [#tpu.dimension_semantics<core_parallel>, #tpu.dimension_semantics<subcore_parallel>], iteration_bounds = array<i64: 2, 16>, scalar_prefetch = 0 : i64, scratch_operands = 4 : i64, tpu.core_type = #tpu.core_type<sc_vector_subcore>, window_params = [{transform_indices = #map}, {transform_indices = #map}, {transform_indices = #map}]} {
    %mul3A = arith.constant 2 : i32
    %mul3A_0 = arith.muli %arg1, %mul3A : i32
    %add3A = arith.addi %mul3A_0, %arg0 : i32
    "tpu.region"() ({
      %run_scoped3A = tpu.sem_alloc : memref<!tpu.dma_semaphore, #tpu.memory_space<semaphore_mem>>
      %dma_start3A = arith.constant 0 : i32
      %dma_start3A_253 = tpu.memref_slice %arg2[%add3A, %dma_start3A] : memref<32x8736xi32, #tpu.memory_space<hbm>> -> memref<1x8736xi32, #tpu.memory_space<hbm>>
      %dma_start3A_254 = tpu.memref_squeeze %dma_start3A_253 : memref<1x8736xi32, #tpu.memory_space<hbm>> -> memref<8736xi32, #tpu.memory_space<hbm>>
      %dma_start3A_255 = arith.constant 0 : i32
      %dma_start3A_256 = tpu.memref_slice %arg2[%add3A, %dma_start3A_255] : memref<32x8736xi32, #tpu.memory_space<hbm>> -> memref<1x8736xi32, #tpu.memory_space<hbm>>
      %dma_start3A_257 = tpu.memref_squeeze %dma_start3A_256 : memref<1x8736xi32, #tpu.memory_space<hbm>> -> memref<8736xi32, #tpu.memory_space<hbm>>
      tpu.enqueue_dma source(%dma_start3A_257 : memref<8736xi32, #tpu.memory_space<hbm>>) target(%arg5 : memref<8736xi32, #tpu.memory_space<vmem>>) target_semaphore(%run_scoped3A : memref<!tpu.dma_semaphore, #tpu.memory_space<semaphore_mem>>)
      %dma_wait3A = arith.constant 0 : i32
      %dma_wait3A_258 = tpu.memref_slice %arg2[%add3A, %dma_wait3A] : memref<32x8736xi32, #tpu.memory_space<hbm>> -> memref<1x8736xi32, #tpu.memory_space<hbm>>
      %dma_wait3A_259 = tpu.memref_squeeze %dma_wait3A_258 : memref<1x8736xi32, #tpu.memory_space<hbm>> -> memref<8736xi32, #tpu.memory_space<hbm>>
      %dma_wait3A_260 = arith.constant 0 : i32
      %dma_wait3A_261 = tpu.memref_slice %arg2[%add3A, %dma_wait3A_260] : memref<32x8736xi32, #tpu.memory_space<hbm>> -> memref<1x8736xi32, #tpu.memory_space<hbm>>
      %dma_wait3A_262 = tpu.memref_squeeze %dma_wait3A_261 : memref<1x8736xi32, #tpu.memory_space<hbm>> -> memref<8736xi32, #tpu.memory_space<hbm>>
      tpu.wait_dma2 semaphore(%run_scoped3A : memref<!tpu.dma_semaphore, #tpu.memory_space<semaphore_mem>>) src(%dma_wait3A_262 : memref<8736xi32, #tpu.memory_space<hbm>>) dst(%arg5 : memref<8736xi32, #tpu.memory_space<vmem>>)
      tpu.yield
    }) : () -> ()
    "tpu.region"() ({
      %run_scoped3A = tpu.sem_alloc : memref<!tpu.dma_semaphore, #tpu.memory_space<semaphore_mem>>
      %dma_start3A = arith.constant 0 : i32
      %dma_start3A_253 = tpu.memref_slice %arg3[%add3A, %dma_start3A] : memref<32x8736xf32, #tpu.memory_space<hbm>> -> memref<1x8736xf32, #tpu.memory_space<hbm>>
      %dma_start3A_254 = tpu.memref_squeeze %dma_start3A_253 : memref<1x8736xf32, #tpu.memory_space<hbm>> -> memref<8736xf32, #tpu.memory_space<hbm>>
      %dma_start3A_255 = arith.constant 0 : i32
      %dma_start3A_256 = tpu.memref_slice %arg3[%add3A, %dma_start3A_255] : memref<32x8736xf32, #tpu.memory_space<hbm>> -> memref<1x8736xf32, #tpu.memory_space<hbm>>
      %dma_start3A_257 = tpu.memref_squeeze %dma_start3A_256 : memref<1x8736xf32, #tpu.memory_space<hbm>> -> memref<8736xf32, #tpu.memory_space<hbm>>
      tpu.enqueue_dma source(%dma_start3A_257 : memref<8736xf32, #tpu.memory_space<hbm>>) target(%arg6 : memref<8736xf32, #tpu.memory_space<vmem>>) target_semaphore(%run_scoped3A : memref<!tpu.dma_semaphore, #tpu.memory_space<semaphore_mem>>)
      %dma_wait3A = arith.constant 0 : i32
      %dma_wait3A_258 = tpu.memref_slice %arg3[%add3A, %dma_wait3A] : memref<32x8736xf32, #tpu.memory_space<hbm>> -> memref<1x8736xf32, #tpu.memory_space<hbm>>
      %dma_wait3A_259 = tpu.memref_squeeze %dma_wait3A_258 : memref<1x8736xf32, #tpu.memory_space<hbm>> -> memref<8736xf32, #tpu.memory_space<hbm>>
      %dma_wait3A_260 = arith.constant 0 : i32
      %dma_wait3A_261 = tpu.memref_slice %arg3[%add3A, %dma_wait3A_260] : memref<32x8736xf32, #tpu.memory_space<hbm>> -> memref<1x8736xf32, #tpu.memory_space<hbm>>
      %dma_wait3A_262 = tpu.memref_squeeze %dma_wait3A_261 : memref<1x8736xf32, #tpu.memory_space<hbm>> -> memref<8736xf32, #tpu.memory_space<hbm>>
      tpu.wait_dma2 semaphore(%run_scoped3A : memref<!tpu.dma_semaphore, #tpu.memory_space<semaphore_mem>>) src(%dma_wait3A_262 : memref<8736xf32, #tpu.memory_space<hbm>>) dst(%arg6 : memref<8736xf32, #tpu.memory_space<vmem>>)
      tpu.yield
    }) : () -> ()
    %iota3A = tpu.iota {dimensions = array<i32: 0>} : vector<16xi32>
    %broadcast_in_dim3A = arith.constant 0 : i32
    %broadcast_in_dim3A_1 = vector.broadcast %broadcast_in_dim3A : i32 to vector<16xi32>
    %broadcast_in_dim3A_2 = arith.constant 1 : i32
    %broadcast_in_dim3A_3 = vector.broadcast %broadcast_in_dim3A_2 : i32 to vector<16xi32>
    %mul3A_4 = arith.constant 256 : i32
    %mul3A_5 = vector.broadcast %mul3A_4 : i32 to vector<16xi32>
    %mul3A_6 = arith.muli %iota3A, %mul3A_5 : vector<16xi32>
    %scan3A = arith.constant 0 : i32
    %scan3A_7 = arith.constant 0 : i32
    %scan3A_8 = arith.constant 256 : i32
    %scan3A_9 = arith.addi %scan3A_7, %scan3A_8 : i32
    %scan3A_10 = arith.constant 1 : i32
    scf.for %scan3A_253 = %scan3A_7 to %scan3A_9 step %scan3A_10  : i32 {
      %mul3A_254 = arith.constant 16 : i32
      %mul3A_255 = arith.muli %scan3A_253, %mul3A_254 : i32
      %swap3A_256 = arith.index_cast %mul3A_255 : i32 to index
      %swap3A_257 = tpu.vector_load %arg7[%swap3A_256] {strides = array<i32>} : memref<4096xi32, #tpu.memory_space<vmem>>, vector<16xi32>,
      tpu.vector_store %arg7[%swap3A_256], %broadcast_in_dim3A_1 {strides = array<i32>} : memref<4096xi32, #tpu.memory_space<vmem>>, vector<16xi32>,
    }
    %scan3A_11 = arith.constant 256 : i32
    %shift_right_arithmetic3A = arith.constant 31 : i32
    %shift_right_arithmetic3A_12 = vector.broadcast %shift_right_arithmetic3A : i32 to vector<16xi32>
    %shift_right_arithmetic3A_13 = arith.shrsi %broadcast_in_dim3A_1, %shift_right_arithmetic3A_12 : vector<16xi32>
    %scan3A_14 = arith.constant 0 : i32
    %scan3A_15 = arith.constant 546 : i32
    %scan3A_16 = arith.addi %scan3A_14, %scan3A_15 : i32
    %scan3A_17 = arith.constant 1 : i32
    %scan3A_18 = scf.for %scan3A_253 = %scan3A_14 to %scan3A_16 step %scan3A_17 iter_args(%scan3A_254 = %broadcast_in_dim3A_1) -> (vector<16xi32>)  : i32 {
      %mul3A_255 = arith.constant 16 : i32
      %mul3A_256 = arith.muli %scan3A_253, %mul3A_255 : i32
      %get3A = arith.index_cast %mul3A_256 : i32 to index
      %get3A_257 = tpu.vector_load %arg5[%get3A] {strides = array<i32>} : memref<8736xi32, #tpu.memory_space<vmem>>, vector<16xi32>,
      %shift_right_arithmetic3A_258 = arith.constant 31 : i32
      %shift_right_arithmetic3A_259 = vector.broadcast %shift_right_arithmetic3A_258 : i32 to vector<16xi32>
      %shift_right_arithmetic3A_260 = arith.shrsi %get3A_257, %shift_right_arithmetic3A_259 : vector<16xi32>
      %eq3A = arith.cmpi eq, %shift_right_arithmetic3A_260, %shift_right_arithmetic3A_13 : vector<16xi32>
      %shift_right_arithmetic3A_261 = arith.constant 23 : i32
      %shift_right_arithmetic3A_262 = vector.broadcast %shift_right_arithmetic3A_261 : i32 to vector<16xi32>
      %shift_right_arithmetic3A_263 = arith.shrsi %get3A_257, %shift_right_arithmetic3A_262 : vector<16xi32>
      %and3A_264 = arith.constant 255 : i32
      %and3A_265 = vector.broadcast %and3A_264 : i32 to vector<16xi32>
      %and3A_266 = arith.andi %shift_right_arithmetic3A_263, %and3A_265 : vector<16xi32>
      %add3A_267 = arith.addi %mul3A_6, %and3A_266 : vector<16xi32>
      tpu.vector_store_idx %arg7[%add3A_267], %broadcast_in_dim3A_3 masked %eq3A {add = true} : memref<4096xi32, #tpu.memory_space<vmem>>[vector<16xi32>], vector<16xi32>, vector<16xi1>
      %eq3A_268 = arith.constant -2147483648 : i32
      %eq3A_269 = vector.broadcast %eq3A_268 : i32 to vector<16xi32>
      %eq3A_270 = arith.cmpi eq, %get3A_257, %eq3A_269 : vector<16xi32>
      %all_reduce_population_count3A = tpu.all_reduce %eq3A_270 {dim = 0 : i64, kind = #tpu.reduction_kind<sum>} : vector<16xi1> -> vector<16xi32>
      %add3A_271 = arith.addi %scan3A_254, %all_reduce_population_count3A : vector<16xi32>
      scf.yield %add3A_271 : vector<16xi32>
    }
    %scan3A_19 = arith.constant 546 : i32
    %sub3A = arith.constant 8732 : i32
    %sub3A_20 = vector.broadcast %sub3A : i32 to vector<16xi32>
    %sub3A_21 = arith.subi %sub3A_20, %scan3A_18 : vector<16xi32>
    %mul3A_22 = arith.constant 3 : i32
    %mul3A_23 = vector.broadcast %mul3A_22 : i32 to vector<16xi32>
    %mul3A_24 = arith.muli %mul3A_23, %scan3A_18 : vector<16xi32>
    %min3A = arith.minsi %sub3A_21, %mul3A_24 : vector<16xi32>
    %broadcast_in_dim3A_25 = arith.constant -1 : i32
    %broadcast_in_dim3A_26 = vector.broadcast %broadcast_in_dim3A_25 : i32 to vector<16xi32>
    %scan3A_27 = arith.constant 0 : i32
    %scan3A_28 = arith.constant 16 : i32
    %scan3A_29 = arith.addi %scan3A_27, %scan3A_28 : i32
    %scan3A_30 = arith.constant 1 : i32
    %scan3A_31:3 = scf.for %scan3A_253 = %scan3A_27 to %scan3A_29 step %scan3A_30 iter_args(%scan3A_254 = %broadcast_in_dim3A_1, %scan3A_255 = %broadcast_in_dim3A_26, %scan3A_256 = %broadcast_in_dim3A_26) -> (vector<16xi32>, vector<16xi32>, vector<16xi32>)  : i32 {
      %sub3A_257 = arith.constant 15 : i32
      %sub3A_258 = arith.subi %sub3A_257, %scan3A_253 : i32
      %mul3A_259 = arith.constant 16 : i32
      %mul3A_260 = arith.muli %sub3A_258, %mul3A_259 : i32
      %add3A_261 = arith.constant 0 : i32
      %add3A_262 = arith.addi %add3A_261, %mul3A_260 : i32
      %get3A = arith.index_cast %add3A_262 : i32 to index
      %get3A_263 = tpu.vector_load %arg7[%get3A] {strides = array<i32>} : memref<4096xi32, #tpu.memory_space<vmem>>, vector<16xi32>,
      %add3A_264 = arith.addi %broadcast_in_dim3A_1, %get3A_263 : vector<16xi32>
      %mul3A_265 = arith.constant 16 : i32
      %mul3A_266 = arith.muli %sub3A_258, %mul3A_265 : i32
      %add3A_267 = arith.constant 256 : i32
      %add3A_268 = arith.addi %add3A_267, %mul3A_266 : i32
      %get3A_269 = arith.index_cast %add3A_268 : i32 to index
      %get3A_270 = tpu.vector_load %arg7[%get3A_269] {strides = array<i32>} : memref<4096xi32, #tpu.memory_space<vmem>>, vector<16xi32>,
      %add3A_271 = arith.addi %add3A_264, %get3A_270 : vector<16xi32>
      %mul3A_272 = arith.constant 16 : i32
      %mul3A_273 = arith.muli %sub3A_258, %mul3A_272 : i32
      %add3A_274 = arith.constant 512 : i32
      %add3A_275 = arith.addi %add3A_274, %mul3A_273 : i32
      %get3A_276 = arith.index_cast %add3A_275 : i32 to index
      %get3A_277 = tpu.vector_load %arg7[%get3A_276] {strides = array<i32>} : memref<4096xi32, #tpu.memory_space<vmem>>, vector<16xi32>,
      %add3A_278 = arith.addi %add3A_271, %get3A_277 : vector<16xi32>
      %mul3A_279 = arith.constant 16 : i32
      %mul3A_280 = arith.muli %sub3A_258, %mul3A_279 : i32
      %add3A_281 = arith.constant 768 : i32
      %add3A_282 = arith.addi %add3A_281, %mul3A_280 : i32
      %get3A_283 = arith.index_cast %add3A_282 : i32 to index
      %get3A_284 = tpu.vector_load %arg7[%get3A_283] {strides = array<i32>} : memref<4096xi32, #tpu.memory_space<vmem>>, vector<16xi32>,
      %add3A_285 = arith.addi %add3A_278, %get3A_284 : vector<16xi32>
      %mul3A_286 = arith.constant 16 : i32
      %mul3A_287 = arith.muli %sub3A_258, %mul3A_286 : i32
      %add3A_288 = arith.constant 1024 : i32
      %add3A_289 = arith.addi %add3A_288, %mul3A_287 : i32
      %get3A_290 = arith.index_cast %add3A_289 : i32 to index
      %get3A_291 = tpu.vector_load %arg7[%get3A_290] {strides = array<i32>} : memref<4096xi32, #tpu.memory_space<vmem>>, vector<16xi32>,
      %add3A_292 = arith.addi %add3A_285, %get3A_291 : vector<16xi32>
      %mul3A_293 = arith.constant 16 : i32
      %mul3A_294 = arith.muli %sub3A_258, %mul3A_293 : i32
      %add3A_295 = arith.constant 1280 : i32
      %add3A_296 = arith.addi %add3A_295, %mul3A_294 : i32
      %get3A_297 = arith.index_cast %add3A_296 : i32 to index
      %get3A_298 = tpu.vector_load %arg7[%get3A_297] {strides = array<i32>} : memref<4096xi32, #tpu.memory_space<vmem>>, vector<16xi32>,
      %add3A_299 = arith.addi %add3A_292, %get3A_298 : vector<16xi32>
      %mul3A_300 = arith.constant 16 : i32
      %mul3A_301 = arith.muli %sub3A_258, %mul3A_300 : i32
      %add3A_302 = arith.constant 1536 : i32
      %add3A_303 = arith.addi %add3A_302, %mul3A_301 : i32
      %get3A_304 = arith.index_cast %add3A_303 : i32 to index
      %get3A_305 = tpu.vector_load %arg7[%get3A_304] {strides = array<i32>} : memref<4096xi32, #tpu.memory_space<vmem>>, vector<16xi32>,
      %add3A_306 = arith.addi %add3A_299, %get3A_305 : vector<16xi32>
      %mul3A_307 = arith.constant 16 : i32
      %mul3A_308 = arith.muli %sub3A_258, %mul3A_307 : i32
      %add3A_309 = arith.constant 1792 : i32
      %add3A_310 = arith.addi %add3A_309, %mul3A_308 : i32
      %get3A_311 = arith.index_cast %add3A_310 : i32 to index
      %get3A_312 = tpu.vector_load %arg7[%get3A_311] {strides = array<i32>} : memref<4096xi32, #tpu.memory_space<vmem>>, vector<16xi32>,
      %add3A_313 = arith.addi %add3A_306, %get3A_312 : vector<16xi32>
      %mul3A_314 = arith.constant 16 : i32
      %mul3A_315 = arith.muli %sub3A_258, %mul3A_314 : i32
      %add3A_316 = arith.constant 2048 : i32
      %add3A_317 = arith.addi %add3A_316, %mul3A_315 : i32
      %get3A_318 = arith.index_cast %add3A_317 : i32 to index
      %get3A_319 = tpu.vector_load %arg7[%get3A_318] {strides = array<i32>} : memref<4096xi32, #tpu.memory_space<vmem>>, vector<16xi32>,
      %add3A_320 = arith.addi %add3A_313, %get3A_319 : vector<16xi32>
      %mul3A_321 = arith.constant 16 : i32
      %mul3A_322 = arith.muli %sub3A_258, %mul3A_321 : i32
      %add3A_323 = arith.constant 2304 : i32
      %add3A_324 = arith.addi %add3A_323, %mul3A_322 : i32
      %get3A_325 = arith.index_cast %add3A_324 : i32 to index
      %get3A_326 = tpu.vector_load %arg7[%get3A_325] {strides = array<i32>} : memref<4096xi32, #tpu.memory_space<vmem>>, vector<16xi32>,
      %add3A_327 = arith.addi %add3A_320, %get3A_326 : vector<16xi32>
      %mul3A_328 = arith.constant 16 : i32
      %mul3A_329 = arith.muli %sub3A_258, %mul3A_328 : i32
      %add3A_330 = arith.constant 2560 : i32
      %add3A_331 = arith.addi %add3A_330, %mul3A_329 : i32
      %get3A_332 = arith.index_cast %add3A_331 : i32 to index
      %get3A_333 = tpu.vector_load %arg7[%get3A_332] {strides = array<i32>} : memref<4096xi32, #tpu.memory_space<vmem>>, vector<16xi32>,
      %add3A_334 = arith.addi %add3A_327, %get3A_333 : vector<16xi32>
      %mul3A_335 = arith.constant 16 : i32
      %mul3A_336 = arith.muli %sub3A_258, %mul3A_335 : i32
      %add3A_337 = arith.constant 2816 : i32
      %add3A_338 = arith.addi %add3A_337, %mul3A_336 : i32
      %get3A_339 = arith.index_cast %add3A_338 : i32 to index
      %get3A_340 = tpu.vector_load %arg7[%get3A_339] {strides = array<i32>} : memref<4096xi32, #tpu.memory_space<vmem>>, vector<16xi32>,
      %add3A_341 = arith.addi %add3A_334, %get3A_340 : vector<16xi32>
      %mul3A_342 = arith.constant 16 : i32
      %mul3A_343 = arith.muli %sub3A_258, %mul3A_342 : i32
      %add3A_344 = arith.constant 3072 : i32
      %add3A_345 = arith.addi %add3A_344, %mul3A_343 : i32
      %get3A_346 = arith.index_cast %add3A_345 : i32 to index
      %get3A_347 = tpu.vector_load %arg7[%get3A_346] {strides = array<i32>} : memref<4096xi32, #tpu.memory_space<vmem>>, vector<16xi32>,
      %add3A_348 = arith.addi %add3A_341, %get3A_347 : vector<16xi32>
      %mul3A_349 = arith.constant 16 : i32
      %mul3A_350 = arith.muli %sub3A_258, %mul3A_349 : i32
      %add3A_351 = arith.constant 3328 : i32
      %add3A_352 = arith.addi %add3A_351, %mul3A_350 : i32
      %get3A_353 = arith.index_cast %add3A_352 : i32 to index
      %get3A_354 = tpu.vector_load %arg7[%get3A_353] {strides = array<i32>} : memref<4096xi32, #tpu.memory_space<vmem>>, vector<16xi32>,
      %add3A_355 = arith.addi %add3A_348, %get3A_354 : vector<16xi32>
      %mul3A_356 = arith.constant 16 : i32
      %mul3A_357 = arith.muli %sub3A_258, %mul3A_356 : i32
      %add3A_358 = arith.constant 3584 : i32
      %add3A_359 = arith.addi %add3A_358, %mul3A_357 : i32
      %get3A_360 = arith.index_cast %add3A_359 : i32 to index
      %get3A_361 = tpu.vector_load %arg7[%get3A_360] {strides = array<i32>} : memref<4096xi32, #tpu.memory_space<vmem>>, vector<16xi32>,
      %add3A_362 = arith.addi %add3A_355, %get3A_361 : vector<16xi32>
      %mul3A_363 = arith.constant 16 : i32
      %mul3A_364 = arith.muli %sub3A_258, %mul3A_363 : i32
      %add3A_365 = arith.constant 3840 : i32
      %add3A_366 = arith.addi %add3A_365, %mul3A_364 : i32
      %get3A_367 = arith.index_cast %add3A_366 : i32 to index
      %get3A_368 = tpu.vector_load %arg7[%get3A_367] {strides = array<i32>} : memref<4096xi32, #tpu.memory_space<vmem>>, vector<16xi32>,
      %add3A_369 = arith.addi %add3A_362, %get3A_368 : vector<16xi32>
      %broadcast_in_dim3A_370 = arith.constant true
      %broadcast_in_dim3A_371 = vector.broadcast %broadcast_in_dim3A_370 : i1 to vector<16xi1>
      %masked_cumsum3A = tpu.scan <sum>, %add3A_369 masked %broadcast_in_dim3A_371 : vector<16xi32>, vector<16xi1> -> vector<16xi32>
      %broadcast_in_dim3A_372 = arith.constant 15 : i32
      %broadcast_in_dim3A_373 = vector.broadcast %broadcast_in_dim3A_372 : i32 to vector<16x1xi32>
      %gather3A_374 = vector.shape_cast %broadcast_in_dim3A_373 : vector<16x1xi32> to vector<16xi32>
      %gather3A_375 = tpu.dynamic_gather %masked_cumsum3A[%gather3A_374] in [0] : vector<16xi32>, vector<16xi32> -> vector<16xi32>
      %add3A_376 = arith.addi %scan3A_254, %gather3A_375 : vector<16xi32>
      %sub3A_377 = arith.subi %add3A_376, %masked_cumsum3A : vector<16xi32>
      %add3A_378 = arith.addi %sub3A_377, %add3A_369 : vector<16xi32>
      %mul3A_379 = arith.constant 16 : i32
      %mul3A_380 = arith.muli %sub3A_258, %mul3A_379 : i32
      %add3A_381 = vector.broadcast %mul3A_380 : i32 to vector<16xi32>
      %add3A_382 = arith.addi %add3A_381, %iota3A : vector<16xi32>
      %ge3A = arith.cmpi sge, %add3A_378, %min3A : vector<16xi32>
      %shift_left3A_383 = arith.constant 14 : i32
      %shift_left3A_384 = vector.broadcast %shift_left3A_383 : i32 to vector<16xi32>
      %shift_left3A_385 = arith.shli %add3A_382, %shift_left3A_384 : vector<16xi32>
      %or3A_386 = arith.ori %shift_left3A_385, %add3A_369 : vector<16xi32>
      %jit3A = arith.constant -1 : i32
      %broadcast_in_dim3A_387 = vector.broadcast %jit3A : i32 to vector<16xi32>
      %select_n3A = arith.select %ge3A, %or3A_386, %broadcast_in_dim3A_387 : vector<16xi1>, vector<16xi32>
      %max3A = arith.maxsi %scan3A_255, %select_n3A : vector<16xi32>
      %or3A_388 = arith.ori %shift_left3A_385, %add3A_378 : vector<16xi32>
      %jit3A_389 = arith.constant -1 : i32
      %broadcast_in_dim3A_390 = vector.broadcast %jit3A_389 : i32 to vector<16xi32>
      %select_n3A_391 = arith.select %ge3A, %or3A_388, %broadcast_in_dim3A_390 : vector<16xi1>, vector<16xi32>
      %max3A_392 = arith.maxsi %scan3A_256, %select_n3A_391 : vector<16xi32>
      %add3A_393 = arith.addi %scan3A_254, %gather3A_375 : vector<16xi32>
      scf.yield %add3A_393, %max3A, %max3A_392 : vector<16xi32>, vector<16xi32>, vector<16xi32>
    }
    %scan3A_32 = arith.constant 16 : i32
    %broadcast_in_dim3A_33 = arith.constant true
    %broadcast_in_dim3A_34 = vector.broadcast %broadcast_in_dim3A_33 : i1 to vector<16xi1>
    %masked_cummax3A = arith.constant -2147483648 : i32
    %masked_cummax3A_35 = vector.broadcast %masked_cummax3A : i32 to vector<16xi32>
    %masked_cummax3A_36 = arith.xori %scan3A_31#1, %masked_cummax3A_35 : vector<16xi32>
    %masked_cummax3A_37 = tpu.scan <max>, %masked_cummax3A_36 masked %broadcast_in_dim3A_34 : vector<16xi32>, vector<16xi1> -> vector<16xi32>
    %masked_cummax3A_38 = arith.xori %masked_cummax3A_37, %masked_cummax3A_35 : vector<16xi32>
    %broadcast_in_dim3A_39 = arith.constant 15 : i32
    %broadcast_in_dim3A_40 = vector.broadcast %broadcast_in_dim3A_39 : i32 to vector<16x1xi32>
    %gather3A = vector.shape_cast %broadcast_in_dim3A_40 : vector<16x1xi32> to vector<16xi32>
    %gather3A_41 = tpu.dynamic_gather %masked_cummax3A_38[%gather3A] in [0] : vector<16xi32>, vector<16xi32> -> vector<16xi32>
    %broadcast_in_dim3A_42 = arith.constant true
    %broadcast_in_dim3A_43 = vector.broadcast %broadcast_in_dim3A_42 : i1 to vector<16xi1>
    %masked_cummax3A_44 = arith.constant -2147483648 : i32
    %masked_cummax3A_45 = vector.broadcast %masked_cummax3A_44 : i32 to vector<16xi32>
    %masked_cummax3A_46 = arith.xori %scan3A_31#2, %masked_cummax3A_45 : vector<16xi32>
    %masked_cummax3A_47 = tpu.scan <max>, %masked_cummax3A_46 masked %broadcast_in_dim3A_43 : vector<16xi32>, vector<16xi1> -> vector<16xi32>
    %masked_cummax3A_48 = arith.xori %masked_cummax3A_47, %masked_cummax3A_45 : vector<16xi32>
    %broadcast_in_dim3A_49 = arith.constant 15 : i32
    %broadcast_in_dim3A_50 = vector.broadcast %broadcast_in_dim3A_49 : i32 to vector<16x1xi32>
    %gather3A_51 = vector.shape_cast %broadcast_in_dim3A_50 : vector<16x1xi32> to vector<16xi32>
    %gather3A_52 = tpu.dynamic_gather %masked_cummax3A_48[%gather3A_51] in [0] : vector<16xi32>, vector<16xi32> -> vector<16xi32>
    %shift_right_logical3A = arith.constant 14 : i32
    %shift_right_logical3A_53 = vector.broadcast %shift_right_logical3A : i32 to vector<16xi32>
    %shift_right_logical3A_54 = arith.shrui %gather3A_41, %shift_right_logical3A_53 : vector<16xi32>
    %and3A = arith.constant 16383 : i32
    %and3A_55 = vector.broadcast %and3A : i32 to vector<16xi32>
    %and3A_56 = arith.andi %gather3A_41, %and3A_55 : vector<16xi32>
    %and3A_57 = arith.constant 16383 : i32
    %and3A_58 = vector.broadcast %and3A_57 : i32 to vector<16xi32>
    %and3A_59 = arith.andi %gather3A_52, %and3A_58 : vector<16xi32>
    %sub3A_60 = arith.subi %and3A_59, %and3A_56 : vector<16xi32>
    %sub3A_61 = arith.subi %min3A, %sub3A_60 : vector<16xi32>
    %shift_left3A = arith.constant 23 : i32
    %shift_left3A_62 = vector.broadcast %shift_left3A : i32 to vector<16xi32>
    %shift_left3A_63 = arith.shli %shift_right_logical3A_54, %shift_left3A_62 : vector<16xi32>
    %or3A = arith.ori %broadcast_in_dim3A_1, %shift_left3A_63 : vector<16xi32>
    %scan3A_64 = arith.constant 0 : i32
    %scan3A_65 = arith.constant 0 : i32
    %scan3A_66 = arith.constant 256 : i32
    %scan3A_67 = arith.addi %scan3A_65, %scan3A_66 : i32
    %scan3A_68 = arith.constant 1 : i32
    scf.for %scan3A_253 = %scan3A_65 to %scan3A_67 step %scan3A_68  : i32 {
      %mul3A_254 = arith.constant 16 : i32
      %mul3A_255 = arith.muli %scan3A_253, %mul3A_254 : i32
      %swap3A_256 = arith.index_cast %mul3A_255 : i32 to index
      %swap3A_257 = tpu.vector_load %arg7[%swap3A_256] {strides = array<i32>} : memref<4096xi32, #tpu.memory_space<vmem>>, vector<16xi32>,
      tpu.vector_store %arg7[%swap3A_256], %broadcast_in_dim3A_1 {strides = array<i32>} : memref<4096xi32, #tpu.memory_space<vmem>>, vector<16xi32>,
    }
    %scan3A_69 = arith.constant 256 : i32
    %shift_right_arithmetic3A_70 = arith.constant 23 : i32
    %shift_right_arithmetic3A_71 = vector.broadcast %shift_right_arithmetic3A_70 : i32 to vector<16xi32>
    %shift_right_arithmetic3A_72 = arith.shrsi %or3A, %shift_right_arithmetic3A_71 : vector<16xi32>
    %scan3A_73 = arith.constant 0 : i32
    %scan3A_74 = arith.constant 0 : i32
    %scan3A_75 = arith.constant 546 : i32
    %scan3A_76 = arith.addi %scan3A_74, %scan3A_75 : i32
    %scan3A_77 = arith.constant 1 : i32
    scf.for %scan3A_253 = %scan3A_74 to %scan3A_76 step %scan3A_77  : i32 {
      %mul3A_254 = arith.constant 16 : i32
      %mul3A_255 = arith.muli %scan3A_253, %mul3A_254 : i32
      %get3A = arith.index_cast %mul3A_255 : i32 to index
      %get3A_256 = tpu.vector_load %arg5[%get3A] {strides = array<i32>} : memref<8736xi32, #tpu.memory_space<vmem>>, vector<16xi32>,
      %shift_right_arithmetic3A_257 = arith.constant 23 : i32
      %shift_right_arithmetic3A_258 = vector.broadcast %shift_right_arithmetic3A_257 : i32 to vector<16xi32>
      %shift_right_arithmetic3A_259 = arith.shrsi %get3A_256, %shift_right_arithmetic3A_258 : vector<16xi32>
      %eq3A = arith.cmpi eq, %shift_right_arithmetic3A_259, %shift_right_arithmetic3A_72 : vector<16xi32>
      %shift_right_arithmetic3A_260 = arith.constant 15 : i32
      %shift_right_arithmetic3A_261 = vector.broadcast %shift_right_arithmetic3A_260 : i32 to vector<16xi32>
      %shift_right_arithmetic3A_262 = arith.shrsi %get3A_256, %shift_right_arithmetic3A_261 : vector<16xi32>
      %and3A_263 = arith.constant 255 : i32
      %and3A_264 = vector.broadcast %and3A_263 : i32 to vector<16xi32>
      %and3A_265 = arith.andi %shift_right_arithmetic3A_262, %and3A_264 : vector<16xi32>
      %add3A_266 = arith.addi %mul3A_6, %and3A_265 : vector<16xi32>
      tpu.vector_store_idx %arg7[%add3A_266], %broadcast_in_dim3A_3 masked %eq3A {add = true} : memref<4096xi32, #tpu.memory_space<vmem>>[vector<16xi32>], vector<16xi32>, vector<16xi1>
    }
    %scan3A_78 = arith.constant 546 : i32
    %broadcast_in_dim3A_79 = arith.constant -1 : i32
    %broadcast_in_dim3A_80 = vector.broadcast %broadcast_in_dim3A_79 : i32 to vector<16xi32>
    %scan3A_81 = arith.constant 0 : i32
    %scan3A_82 = arith.constant 16 : i32
    %scan3A_83 = arith.addi %scan3A_81, %scan3A_82 : i32
    %scan3A_84 = arith.constant 1 : i32
    %scan3A_85:3 = scf.for %scan3A_253 = %scan3A_81 to %scan3A_83 step %scan3A_84 iter_args(%scan3A_254 = %broadcast_in_dim3A_1, %scan3A_255 = %broadcast_in_dim3A_80, %scan3A_256 = %broadcast_in_dim3A_80) -> (vector<16xi32>, vector<16xi32>, vector<16xi32>)  : i32 {
      %sub3A_257 = arith.constant 15 : i32
      %sub3A_258 = arith.subi %sub3A_257, %scan3A_253 : i32
      %mul3A_259 = arith.constant 16 : i32
      %mul3A_260 = arith.muli %sub3A_258, %mul3A_259 : i32
      %add3A_261 = arith.constant 0 : i32
      %add3A_262 = arith.addi %add3A_261, %mul3A_260 : i32
      %get3A = arith.index_cast %add3A_262 : i32 to index
      %get3A_263 = tpu.vector_load %arg7[%get3A] {strides = array<i32>} : memref<4096xi32, #tpu.memory_space<vmem>>, vector<16xi32>,
      %add3A_264 = arith.addi %broadcast_in_dim3A_1, %get3A_263 : vector<16xi32>
      %mul3A_265 = arith.constant 16 : i32
      %mul3A_266 = arith.muli %sub3A_258, %mul3A_265 : i32
      %add3A_267 = arith.constant 256 : i32
      %add3A_268 = arith.addi %add3A_267, %mul3A_266 : i32
      %get3A_269 = arith.index_cast %add3A_268 : i32 to index
      %get3A_270 = tpu.vector_load %arg7[%get3A_269] {strides = array<i32>} : memref<4096xi32, #tpu.memory_space<vmem>>, vector<16xi32>,
      %add3A_271 = arith.addi %add3A_264, %get3A_270 : vector<16xi32>
      %mul3A_272 = arith.constant 16 : i32
      %mul3A_273 = arith.muli %sub3A_258, %mul3A_272 : i32
      %add3A_274 = arith.constant 512 : i32
      %add3A_275 = arith.addi %add3A_274, %mul3A_273 : i32
      %get3A_276 = arith.index_cast %add3A_275 : i32 to index
      %get3A_277 = tpu.vector_load %arg7[%get3A_276] {strides = array<i32>} : memref<4096xi32, #tpu.memory_space<vmem>>, vector<16xi32>,
      %add3A_278 = arith.addi %add3A_271, %get3A_277 : vector<16xi32>
      %mul3A_279 = arith.constant 16 : i32
      %mul3A_280 = arith.muli %sub3A_258, %mul3A_279 : i32
      %add3A_281 = arith.constant 768 : i32
      %add3A_282 = arith.addi %add3A_281, %mul3A_280 : i32
      %get3A_283 = arith.index_cast %add3A_282 : i32 to index
      %get3A_284 = tpu.vector_load %arg7[%get3A_283] {strides = array<i32>} : memref<4096xi32, #tpu.memory_space<vmem>>, vector<16xi32>,
      %add3A_285 = arith.addi %add3A_278, %get3A_284 : vector<16xi32>
      %mul3A_286 = arith.constant 16 : i32
      %mul3A_287 = arith.muli %sub3A_258, %mul3A_286 : i32
      %add3A_288 = arith.constant 1024 : i32
      %add3A_289 = arith.addi %add3A_288, %mul3A_287 : i32
      %get3A_290 = arith.index_cast %add3A_289 : i32 to index
      %get3A_291 = tpu.vector_load %arg7[%get3A_290] {strides = array<i32>} : memref<4096xi32, #tpu.memory_space<vmem>>, vector<16xi32>,
      %add3A_292 = arith.addi %add3A_285, %get3A_291 : vector<16xi32>
      %mul3A_293 = arith.constant 16 : i32
      %mul3A_294 = arith.muli %sub3A_258, %mul3A_293 : i32
      %add3A_295 = arith.constant 1280 : i32
      %add3A_296 = arith.addi %add3A_295, %mul3A_294 : i32
      %get3A_297 = arith.index_cast %add3A_296 : i32 to index
      %get3A_298 = tpu.vector_load %arg7[%get3A_297] {strides = array<i32>} : memref<4096xi32, #tpu.memory_space<vmem>>, vector<16xi32>,
      %add3A_299 = arith.addi %add3A_292, %get3A_298 : vector<16xi32>
      %mul3A_300 = arith.constant 16 : i32
      %mul3A_301 = arith.muli %sub3A_258, %mul3A_300 : i32
      %add3A_302 = arith.constant 1536 : i32
      %add3A_303 = arith.addi %add3A_302, %mul3A_301 : i32
      %get3A_304 = arith.index_cast %add3A_303 : i32 to index
      %get3A_305 = tpu.vector_load %arg7[%get3A_304] {strides = array<i32>} : memref<4096xi32, #tpu.memory_space<vmem>>, vector<16xi32>,
      %add3A_306 = arith.addi %add3A_299, %get3A_305 : vector<16xi32>
      %mul3A_307 = arith.constant 16 : i32
      %mul3A_308 = arith.muli %sub3A_258, %mul3A_307 : i32
      %add3A_309 = arith.constant 1792 : i32
      %add3A_310 = arith.addi %add3A_309, %mul3A_308 : i32
      %get3A_311 = arith.index_cast %add3A_310 : i32 to index
      %get3A_312 = tpu.vector_load %arg7[%get3A_311] {strides = array<i32>} : memref<4096xi32, #tpu.memory_space<vmem>>, vector<16xi32>,
      %add3A_313 = arith.addi %add3A_306, %get3A_312 : vector<16xi32>
      %mul3A_314 = arith.constant 16 : i32
      %mul3A_315 = arith.muli %sub3A_258, %mul3A_314 : i32
      %add3A_316 = arith.constant 2048 : i32
      %add3A_317 = arith.addi %add3A_316, %mul3A_315 : i32
      %get3A_318 = arith.index_cast %add3A_317 : i32 to index
      %get3A_319 = tpu.vector_load %arg7[%get3A_318] {strides = array<i32>} : memref<4096xi32, #tpu.memory_space<vmem>>, vector<16xi32>,
      %add3A_320 = arith.addi %add3A_313, %get3A_319 : vector<16xi32>
      %mul3A_321 = arith.constant 16 : i32
      %mul3A_322 = arith.muli %sub3A_258, %mul3A_321 : i32
      %add3A_323 = arith.constant 2304 : i32
      %add3A_324 = arith.addi %add3A_323, %mul3A_322 : i32
      %get3A_325 = arith.index_cast %add3A_324 : i32 to index
      %get3A_326 = tpu.vector_load %arg7[%get3A_325] {strides = array<i32>} : memref<4096xi32, #tpu.memory_space<vmem>>, vector<16xi32>,
      %add3A_327 = arith.addi %add3A_320, %get3A_326 : vector<16xi32>
      %mul3A_328 = arith.constant 16 : i32
      %mul3A_329 = arith.muli %sub3A_258, %mul3A_328 : i32
      %add3A_330 = arith.constant 2560 : i32
      %add3A_331 = arith.addi %add3A_330, %mul3A_329 : i32
      %get3A_332 = arith.index_cast %add3A_331 : i32 to index
      %get3A_333 = tpu.vector_load %arg7[%get3A_332] {strides = array<i32>} : memref<4096xi32, #tpu.memory_space<vmem>>, vector<16xi32>,
      %add3A_334 = arith.addi %add3A_327, %get3A_333 : vector<16xi32>
      %mul3A_335 = arith.constant 16 : i32
      %mul3A_336 = arith.muli %sub3A_258, %mul3A_335 : i32
      %add3A_337 = arith.constant 2816 : i32
      %add3A_338 = arith.addi %add3A_337, %mul3A_336 : i32
      %get3A_339 = arith.index_cast %add3A_338 : i32 to index
      %get3A_340 = tpu.vector_load %arg7[%get3A_339] {strides = array<i32>} : memref<4096xi32, #tpu.memory_space<vmem>>, vector<16xi32>,
      %add3A_341 = arith.addi %add3A_334, %get3A_340 : vector<16xi32>
      %mul3A_342 = arith.constant 16 : i32
      %mul3A_343 = arith.muli %sub3A_258, %mul3A_342 : i32
      %add3A_344 = arith.constant 3072 : i32
      %add3A_345 = arith.addi %add3A_344, %mul3A_343 : i32
      %get3A_346 = arith.index_cast %add3A_345 : i32 to index
      %get3A_347 = tpu.vector_load %arg7[%get3A_346] {strides = array<i32>} : memref<4096xi32, #tpu.memory_space<vmem>>, vector<16xi32>,
      %add3A_348 = arith.addi %add3A_341, %get3A_347 : vector<16xi32>
      %mul3A_349 = arith.constant 16 : i32
      %mul3A_350 = arith.muli %sub3A_258, %mul3A_349 : i32
      %add3A_351 = arith.constant 3328 : i32
      %add3A_352 = arith.addi %add3A_351, %mul3A_350 : i32
      %get3A_353 = arith.index_cast %add3A_352 : i32 to index
      %get3A_354 = tpu.vector_load %arg7[%get3A_353] {strides = array<i32>} : memref<4096xi32, #tpu.memory_space<vmem>>, vector<16xi32>,
      %add3A_355 = arith.addi %add3A_348, %get3A_354 : vector<16xi32>
      %mul3A_356 = arith.constant 16 : i32
      %mul3A_357 = arith.muli %sub3A_258, %mul3A_356 : i32
      %add3A_358 = arith.constant 3584 : i32
      %add3A_359 = arith.addi %add3A_358, %mul3A_357 : i32
      %get3A_360 = arith.index_cast %add3A_359 : i32 to index
      %get3A_361 = tpu.vector_load %arg7[%get3A_360] {strides = array<i32>} : memref<4096xi32, #tpu.memory_space<vmem>>, vector<16xi32>,
      %add3A_362 = arith.addi %add3A_355, %get3A_361 : vector<16xi32>
      %mul3A_363 = arith.constant 16 : i32
      %mul3A_364 = arith.muli %sub3A_258, %mul3A_363 : i32
      %add3A_365 = arith.constant 3840 : i32
      %add3A_366 = arith.addi %add3A_365, %mul3A_364 : i32
      %get3A_367 = arith.index_cast %add3A_366 : i32 to index
      %get3A_368 = tpu.vector_load %arg7[%get3A_367] {strides = array<i32>} : memref<4096xi32, #tpu.memory_space<vmem>>, vector<16xi32>,
      %add3A_369 = arith.addi %add3A_362, %get3A_368 : vector<16xi32>
      %broadcast_in_dim3A_370 = arith.constant true
      %broadcast_in_dim3A_371 = vector.broadcast %broadcast_in_dim3A_370 : i1 to vector<16xi1>
      %masked_cumsum3A = tpu.scan <sum>, %add3A_369 masked %broadcast_in_dim3A_371 : vector<16xi32>, vector<16xi1> -> vector<16xi32>
      %broadcast_in_dim3A_372 = arith.constant 15 : i32
      %broadcast_in_dim3A_373 = vector.broadcast %broadcast_in_dim3A_372 : i32 to vector<16x1xi32>
      %gather3A_374 = vector.shape_cast %broadcast_in_dim3A_373 : vector<16x1xi32> to vector<16xi32>
      %gather3A_375 = tpu.dynamic_gather %masked_cumsum3A[%gather3A_374] in [0] : vector<16xi32>, vector<16xi32> -> vector<16xi32>
      %add3A_376 = arith.addi %scan3A_254, %gather3A_375 : vector<16xi32>
      %sub3A_377 = arith.subi %add3A_376, %masked_cumsum3A : vector<16xi32>
      %add3A_378 = arith.addi %sub3A_377, %add3A_369 : vector<16xi32>
      %mul3A_379 = arith.constant 16 : i32
      %mul3A_380 = arith.muli %sub3A_258, %mul3A_379 : i32
      %add3A_381 = vector.broadcast %mul3A_380 : i32 to vector<16xi32>
      %add3A_382 = arith.addi %add3A_381, %iota3A : vector<16xi32>
      %ge3A = arith.cmpi sge, %add3A_378, %sub3A_61 : vector<16xi32>
      %shift_left3A_383 = arith.constant 14 : i32
      %shift_left3A_384 = vector.broadcast %shift_left3A_383 : i32 to vector<16xi32>
      %shift_left3A_385 = arith.shli %add3A_382, %shift_left3A_384 : vector<16xi32>
      %or3A_386 = arith.ori %shift_left3A_385, %add3A_369 : vector<16xi32>
      %jit3A = arith.constant -1 : i32
      %broadcast_in_dim3A_387 = vector.broadcast %jit3A : i32 to vector<16xi32>
      %select_n3A = arith.select %ge3A, %or3A_386, %broadcast_in_dim3A_387 : vector<16xi1>, vector<16xi32>
      %max3A = arith.maxsi %scan3A_255, %select_n3A : vector<16xi32>
      %or3A_388 = arith.ori %shift_left3A_385, %add3A_378 : vector<16xi32>
      %jit3A_389 = arith.constant -1 : i32
      %broadcast_in_dim3A_390 = vector.broadcast %jit3A_389 : i32 to vector<16xi32>
      %select_n3A_391 = arith.select %ge3A, %or3A_388, %broadcast_in_dim3A_390 : vector<16xi1>, vector<16xi32>
      %max3A_392 = arith.maxsi %scan3A_256, %select_n3A_391 : vector<16xi32>
      %add3A_393 = arith.addi %scan3A_254, %gather3A_375 : vector<16xi32>
      scf.yield %add3A_393, %max3A, %max3A_392 : vector<16xi32>, vector<16xi32>, vector<16xi32>
    }
    %scan3A_86 = arith.constant 16 : i32
    %broadcast_in_dim3A_87 = arith.constant true
    %broadcast_in_dim3A_88 = vector.broadcast %broadcast_in_dim3A_87 : i1 to vector<16xi1>
    %masked_cummax3A_89 = arith.constant -2147483648 : i32
    %masked_cummax3A_90 = vector.broadcast %masked_cummax3A_89 : i32 to vector<16xi32>
    %masked_cummax3A_91 = arith.xori %scan3A_85#1, %masked_cummax3A_90 : vector<16xi32>
    %masked_cummax3A_92 = tpu.scan <max>, %masked_cummax3A_91 masked %broadcast_in_dim3A_88 : vector<16xi32>, vector<16xi1> -> vector<16xi32>
    %masked_cummax3A_93 = arith.xori %masked_cummax3A_92, %masked_cummax3A_90 : vector<16xi32>
    %broadcast_in_dim3A_94 = arith.constant 15 : i32
    %broadcast_in_dim3A_95 = vector.broadcast %broadcast_in_dim3A_94 : i32 to vector<16x1xi32>
    %gather3A_96 = vector.shape_cast %broadcast_in_dim3A_95 : vector<16x1xi32> to vector<16xi32>
    %gather3A_97 = tpu.dynamic_gather %masked_cummax3A_93[%gather3A_96] in [0] : vector<16xi32>, vector<16xi32> -> vector<16xi32>
    %broadcast_in_dim3A_98 = arith.constant true
    %broadcast_in_dim3A_99 = vector.broadcast %broadcast_in_dim3A_98 : i1 to vector<16xi1>
    %masked_cummax3A_100 = arith.constant -2147483648 : i32
    %masked_cummax3A_101 = vector.broadcast %masked_cummax3A_100 : i32 to vector<16xi32>
    %masked_cummax3A_102 = arith.xori %scan3A_85#2, %masked_cummax3A_101 : vector<16xi32>
    %masked_cummax3A_103 = tpu.scan <max>, %masked_cummax3A_102 masked %broadcast_in_dim3A_99 : vector<16xi32>, vector<16xi1> -> vector<16xi32>
    %masked_cummax3A_104 = arith.xori %masked_cummax3A_103, %masked_cummax3A_101 : vector<16xi32>
    %broadcast_in_dim3A_105 = arith.constant 15 : i32
    %broadcast_in_dim3A_106 = vector.broadcast %broadcast_in_dim3A_105 : i32 to vector<16x1xi32>
    %gather3A_107 = vector.shape_cast %broadcast_in_dim3A_106 : vector<16x1xi32> to vector<16xi32>
    %gather3A_108 = tpu.dynamic_gather %masked_cummax3A_104[%gather3A_107] in [0] : vector<16xi32>, vector<16xi32> -> vector<16xi32>
    %shift_right_logical3A_109 = arith.constant 14 : i32
    %shift_right_logical3A_110 = vector.broadcast %shift_right_logical3A_109 : i32 to vector<16xi32>
    %shift_right_logical3A_111 = arith.shrui %gather3A_97, %shift_right_logical3A_110 : vector<16xi32>
    %and3A_112 = arith.constant 16383 : i32
    %and3A_113 = vector.broadcast %and3A_112 : i32 to vector<16xi32>
    %and3A_114 = arith.andi %gather3A_97, %and3A_113 : vector<16xi32>
    %and3A_115 = arith.constant 16383 : i32
    %and3A_116 = vector.broadcast %and3A_115 : i32 to vector<16xi32>
    %and3A_117 = arith.andi %gather3A_108, %and3A_116 : vector<16xi32>
    %sub3A_118 = arith.subi %and3A_117, %and3A_114 : vector<16xi32>
    %sub3A_119 = arith.subi %sub3A_61, %sub3A_118 : vector<16xi32>
    %shift_left3A_120 = arith.constant 15 : i32
    %shift_left3A_121 = vector.broadcast %shift_left3A_120 : i32 to vector<16xi32>
    %shift_left3A_122 = arith.shli %shift_right_logical3A_111, %shift_left3A_121 : vector<16xi32>
    %or3A_123 = arith.ori %or3A, %shift_left3A_122 : vector<16xi32>
    %scan3A_124 = arith.constant 0 : i32
    %scan3A_125 = arith.constant 0 : i32
    %scan3A_126 = arith.constant 256 : i32
    %scan3A_127 = arith.addi %scan3A_125, %scan3A_126 : i32
    %scan3A_128 = arith.constant 1 : i32
    scf.for %scan3A_253 = %scan3A_125 to %scan3A_127 step %scan3A_128  : i32 {
      %mul3A_254 = arith.constant 16 : i32
      %mul3A_255 = arith.muli %scan3A_253, %mul3A_254 : i32
      %swap3A_256 = arith.index_cast %mul3A_255 : i32 to index
      %swap3A_257 = tpu.vector_load %arg7[%swap3A_256] {strides = array<i32>} : memref<4096xi32, #tpu.memory_space<vmem>>, vector<16xi32>,
      tpu.vector_store %arg7[%swap3A_256], %broadcast_in_dim3A_1 {strides = array<i32>} : memref<4096xi32, #tpu.memory_space<vmem>>, vector<16xi32>,
    }
    %scan3A_129 = arith.constant 256 : i32
    %shift_right_arithmetic3A_130 = arith.constant 15 : i32
    %shift_right_arithmetic3A_131 = vector.broadcast %shift_right_arithmetic3A_130 : i32 to vector<16xi32>
    %shift_right_arithmetic3A_132 = arith.shrsi %or3A_123, %shift_right_arithmetic3A_131 : vector<16xi32>
    %scan3A_133 = arith.constant 0 : i32
    %scan3A_134 = arith.constant 0 : i32
    %scan3A_135 = arith.constant 546 : i32
    %scan3A_136 = arith.addi %scan3A_134, %scan3A_135 : i32
    %scan3A_137 = arith.constant 1 : i32
    scf.for %scan3A_253 = %scan3A_134 to %scan3A_136 step %scan3A_137  : i32 {
      %mul3A_254 = arith.constant 16 : i32
      %mul3A_255 = arith.muli %scan3A_253, %mul3A_254 : i32
      %get3A = arith.index_cast %mul3A_255 : i32 to index
      %get3A_256 = tpu.vector_load %arg5[%get3A] {strides = array<i32>} : memref<8736xi32, #tpu.memory_space<vmem>>, vector<16xi32>,
      %shift_right_arithmetic3A_257 = arith.constant 15 : i32
      %shift_right_arithmetic3A_258 = vector.broadcast %shift_right_arithmetic3A_257 : i32 to vector<16xi32>
      %shift_right_arithmetic3A_259 = arith.shrsi %get3A_256, %shift_right_arithmetic3A_258 : vector<16xi32>
      %eq3A = arith.cmpi eq, %shift_right_arithmetic3A_259, %shift_right_arithmetic3A_132 : vector<16xi32>
      %shift_right_arithmetic3A_260 = arith.constant 7 : i32
      %shift_right_arithmetic3A_261 = vector.broadcast %shift_right_arithmetic3A_260 : i32 to vector<16xi32>
      %shift_right_arithmetic3A_262 = arith.shrsi %get3A_256, %shift_right_arithmetic3A_261 : vector<16xi32>
      %and3A_263 = arith.constant 255 : i32
      %and3A_264 = vector.broadcast %and3A_263 : i32 to vector<16xi32>
      %and3A_265 = arith.andi %shift_right_arithmetic3A_262, %and3A_264 : vector<16xi32>
      %add3A_266 = arith.addi %mul3A_6, %and3A_265 : vector<16xi32>
      tpu.vector_store_idx %arg7[%add3A_266], %broadcast_in_dim3A_3 masked %eq3A {add = true} : memref<4096xi32, #tpu.memory_space<vmem>>[vector<16xi32>], vector<16xi32>, vector<16xi1>
    }
    %scan3A_138 = arith.constant 546 : i32
    %broadcast_in_dim3A_139 = arith.constant -1 : i32
    %broadcast_in_dim3A_140 = vector.broadcast %broadcast_in_dim3A_139 : i32 to vector<16xi32>
    %scan3A_141 = arith.constant 0 : i32
    %scan3A_142 = arith.constant 16 : i32
    %scan3A_143 = arith.addi %scan3A_141, %scan3A_142 : i32
    %scan3A_144 = arith.constant 1 : i32
    %scan3A_145:3 = scf.for %scan3A_253 = %scan3A_141 to %scan3A_143 step %scan3A_144 iter_args(%scan3A_254 = %broadcast_in_dim3A_1, %scan3A_255 = %broadcast_in_dim3A_140, %scan3A_256 = %broadcast_in_dim3A_140) -> (vector<16xi32>, vector<16xi32>, vector<16xi32>)  : i32 {
      %sub3A_257 = arith.constant 15 : i32
      %sub3A_258 = arith.subi %sub3A_257, %scan3A_253 : i32
      %mul3A_259 = arith.constant 16 : i32
      %mul3A_260 = arith.muli %sub3A_258, %mul3A_259 : i32
      %add3A_261 = arith.constant 0 : i32
      %add3A_262 = arith.addi %add3A_261, %mul3A_260 : i32
      %get3A = arith.index_cast %add3A_262 : i32 to index
      %get3A_263 = tpu.vector_load %arg7[%get3A] {strides = array<i32>} : memref<4096xi32, #tpu.memory_space<vmem>>, vector<16xi32>,
      %add3A_264 = arith.addi %broadcast_in_dim3A_1, %get3A_263 : vector<16xi32>
      %mul3A_265 = arith.constant 16 : i32
      %mul3A_266 = arith.muli %sub3A_258, %mul3A_265 : i32
      %add3A_267 = arith.constant 256 : i32
      %add3A_268 = arith.addi %add3A_267, %mul3A_266 : i32
      %get3A_269 = arith.index_cast %add3A_268 : i32 to index
      %get3A_270 = tpu.vector_load %arg7[%get3A_269] {strides = array<i32>} : memref<4096xi32, #tpu.memory_space<vmem>>, vector<16xi32>,
      %add3A_271 = arith.addi %add3A_264, %get3A_270 : vector<16xi32>
      %mul3A_272 = arith.constant 16 : i32
      %mul3A_273 = arith.muli %sub3A_258, %mul3A_272 : i32
      %add3A_274 = arith.constant 512 : i32
      %add3A_275 = arith.addi %add3A_274, %mul3A_273 : i32
      %get3A_276 = arith.index_cast %add3A_275 : i32 to index
      %get3A_277 = tpu.vector_load %arg7[%get3A_276] {strides = array<i32>} : memref<4096xi32, #tpu.memory_space<vmem>>, vector<16xi32>,
      %add3A_278 = arith.addi %add3A_271, %get3A_277 : vector<16xi32>
      %mul3A_279 = arith.constant 16 : i32
      %mul3A_280 = arith.muli %sub3A_258, %mul3A_279 : i32
      %add3A_281 = arith.constant 768 : i32
      %add3A_282 = arith.addi %add3A_281, %mul3A_280 : i32
      %get3A_283 = arith.index_cast %add3A_282 : i32 to index
      %get3A_284 = tpu.vector_load %arg7[%get3A_283] {strides = array<i32>} : memref<4096xi32, #tpu.memory_space<vmem>>, vector<16xi32>,
      %add3A_285 = arith.addi %add3A_278, %get3A_284 : vector<16xi32>
      %mul3A_286 = arith.constant 16 : i32
      %mul3A_287 = arith.muli %sub3A_258, %mul3A_286 : i32
      %add3A_288 = arith.constant 1024 : i32
      %add3A_289 = arith.addi %add3A_288, %mul3A_287 : i32
      %get3A_290 = arith.index_cast %add3A_289 : i32 to index
      %get3A_291 = tpu.vector_load %arg7[%get3A_290] {strides = array<i32>} : memref<4096xi32, #tpu.memory_space<vmem>>, vector<16xi32>,
      %add3A_292 = arith.addi %add3A_285, %get3A_291 : vector<16xi32>
      %mul3A_293 = arith.constant 16 : i32
      %mul3A_294 = arith.muli %sub3A_258, %mul3A_293 : i32
      %add3A_295 = arith.constant 1280 : i32
      %add3A_296 = arith.addi %add3A_295, %mul3A_294 : i32
      %get3A_297 = arith.index_cast %add3A_296 : i32 to index
      %get3A_298 = tpu.vector_load %arg7[%get3A_297] {strides = array<i32>} : memref<4096xi32, #tpu.memory_space<vmem>>, vector<16xi32>,
      %add3A_299 = arith.addi %add3A_292, %get3A_298 : vector<16xi32>
      %mul3A_300 = arith.constant 16 : i32
      %mul3A_301 = arith.muli %sub3A_258, %mul3A_300 : i32
      %add3A_302 = arith.constant 1536 : i32
      %add3A_303 = arith.addi %add3A_302, %mul3A_301 : i32
      %get3A_304 = arith.index_cast %add3A_303 : i32 to index
      %get3A_305 = tpu.vector_load %arg7[%get3A_304] {strides = array<i32>} : memref<4096xi32, #tpu.memory_space<vmem>>, vector<16xi32>,
      %add3A_306 = arith.addi %add3A_299, %get3A_305 : vector<16xi32>
      %mul3A_307 = arith.constant 16 : i32
      %mul3A_308 = arith.muli %sub3A_258, %mul3A_307 : i32
      %add3A_309 = arith.constant 1792 : i32
      %add3A_310 = arith.addi %add3A_309, %mul3A_308 : i32
      %get3A_311 = arith.index_cast %add3A_310 : i32 to index
      %get3A_312 = tpu.vector_load %arg7[%get3A_311] {strides = array<i32>} : memref<4096xi32, #tpu.memory_space<vmem>>, vector<16xi32>,
      %add3A_313 = arith.addi %add3A_306, %get3A_312 : vector<16xi32>
      %mul3A_314 = arith.constant 16 : i32
      %mul3A_315 = arith.muli %sub3A_258, %mul3A_314 : i32
      %add3A_316 = arith.constant 2048 : i32
      %add3A_317 = arith.addi %add3A_316, %mul3A_315 : i32
      %get3A_318 = arith.index_cast %add3A_317 : i32 to index
      %get3A_319 = tpu.vector_load %arg7[%get3A_318] {strides = array<i32>} : memref<4096xi32, #tpu.memory_space<vmem>>, vector<16xi32>,
      %add3A_320 = arith.addi %add3A_313, %get3A_319 : vector<16xi32>
      %mul3A_321 = arith.constant 16 : i32
      %mul3A_322 = arith.muli %sub3A_258, %mul3A_321 : i32
      %add3A_323 = arith.constant 2304 : i32
      %add3A_324 = arith.addi %add3A_323, %mul3A_322 : i32
      %get3A_325 = arith.index_cast %add3A_324 : i32 to index
      %get3A_326 = tpu.vector_load %arg7[%get3A_325] {strides = array<i32>} : memref<4096xi32, #tpu.memory_space<vmem>>, vector<16xi32>,
      %add3A_327 = arith.addi %add3A_320, %get3A_326 : vector<16xi32>
      %mul3A_328 = arith.constant 16 : i32
      %mul3A_329 = arith.muli %sub3A_258, %mul3A_328 : i32
      %add3A_330 = arith.constant 2560 : i32
      %add3A_331 = arith.addi %add3A_330, %mul3A_329 : i32
      %get3A_332 = arith.index_cast %add3A_331 : i32 to index
      %get3A_333 = tpu.vector_load %arg7[%get3A_332] {strides = array<i32>} : memref<4096xi32, #tpu.memory_space<vmem>>, vector<16xi32>,
      %add3A_334 = arith.addi %add3A_327, %get3A_333 : vector<16xi32>
      %mul3A_335 = arith.constant 16 : i32
      %mul3A_336 = arith.muli %sub3A_258, %mul3A_335 : i32
      %add3A_337 = arith.constant 2816 : i32
      %add3A_338 = arith.addi %add3A_337, %mul3A_336 : i32
      %get3A_339 = arith.index_cast %add3A_338 : i32 to index
      %get3A_340 = tpu.vector_load %arg7[%get3A_339] {strides = array<i32>} : memref<4096xi32, #tpu.memory_space<vmem>>, vector<16xi32>,
      %add3A_341 = arith.addi %add3A_334, %get3A_340 : vector<16xi32>
      %mul3A_342 = arith.constant 16 : i32
      %mul3A_343 = arith.muli %sub3A_258, %mul3A_342 : i32
      %add3A_344 = arith.constant 3072 : i32
      %add3A_345 = arith.addi %add3A_344, %mul3A_343 : i32
      %get3A_346 = arith.index_cast %add3A_345 : i32 to index
      %get3A_347 = tpu.vector_load %arg7[%get3A_346] {strides = array<i32>} : memref<4096xi32, #tpu.memory_space<vmem>>, vector<16xi32>,
      %add3A_348 = arith.addi %add3A_341, %get3A_347 : vector<16xi32>
      %mul3A_349 = arith.constant 16 : i32
      %mul3A_350 = arith.muli %sub3A_258, %mul3A_349 : i32
      %add3A_351 = arith.constant 3328 : i32
      %add3A_352 = arith.addi %add3A_351, %mul3A_350 : i32
      %get3A_353 = arith.index_cast %add3A_352 : i32 to index
      %get3A_354 = tpu.vector_load %arg7[%get3A_353] {strides = array<i32>} : memref<4096xi32, #tpu.memory_space<vmem>>, vector<16xi32>,
      %add3A_355 = arith.addi %add3A_348, %get3A_354 : vector<16xi32>
      %mul3A_356 = arith.constant 16 : i32
      %mul3A_357 = arith.muli %sub3A_258, %mul3A_356 : i32
      %add3A_358 = arith.constant 3584 : i32
      %add3A_359 = arith.addi %add3A_358, %mul3A_357 : i32
      %get3A_360 = arith.index_cast %add3A_359 : i32 to index
      %get3A_361 = tpu.vector_load %arg7[%get3A_360] {strides = array<i32>} : memref<4096xi32, #tpu.memory_space<vmem>>, vector<16xi32>,
      %add3A_362 = arith.addi %add3A_355, %get3A_361 : vector<16xi32>
      %mul3A_363 = arith.constant 16 : i32
      %mul3A_364 = arith.muli %sub3A_258, %mul3A_363 : i32
      %add3A_365 = arith.constant 3840 : i32
      %add3A_366 = arith.addi %add3A_365, %mul3A_364 : i32
      %get3A_367 = arith.index_cast %add3A_366 : i32 to index
      %get3A_368 = tpu.vector_load %arg7[%get3A_367] {strides = array<i32>} : memref<4096xi32, #tpu.memory_space<vmem>>, vector<16xi32>,
      %add3A_369 = arith.addi %add3A_362, %get3A_368 : vector<16xi32>
      %broadcast_in_dim3A_370 = arith.constant true
      %broadcast_in_dim3A_371 = vector.broadcast %broadcast_in_dim3A_370 : i1 to vector<16xi1>
      %masked_cumsum3A = tpu.scan <sum>, %add3A_369 masked %broadcast_in_dim3A_371 : vector<16xi32>, vector<16xi1> -> vector<16xi32>
      %broadcast_in_dim3A_372 = arith.constant 15 : i32
      %broadcast_in_dim3A_373 = vector.broadcast %broadcast_in_dim3A_372 : i32 to vector<16x1xi32>
      %gather3A_374 = vector.shape_cast %broadcast_in_dim3A_373 : vector<16x1xi32> to vector<16xi32>
      %gather3A_375 = tpu.dynamic_gather %masked_cumsum3A[%gather3A_374] in [0] : vector<16xi32>, vector<16xi32> -> vector<16xi32>
      %add3A_376 = arith.addi %scan3A_254, %gather3A_375 : vector<16xi32>
      %sub3A_377 = arith.subi %add3A_376, %masked_cumsum3A : vector<16xi32>
      %add3A_378 = arith.addi %sub3A_377, %add3A_369 : vector<16xi32>
      %mul3A_379 = arith.constant 16 : i32
      %mul3A_380 = arith.muli %sub3A_258, %mul3A_379 : i32
      %add3A_381 = vector.broadcast %mul3A_380 : i32 to vector<16xi32>
      %add3A_382 = arith.addi %add3A_381, %iota3A : vector<16xi32>
      %ge3A = arith.cmpi sge, %add3A_378, %sub3A_119 : vector<16xi32>
      %shift_left3A_383 = arith.constant 14 : i32
      %shift_left3A_384 = vector.broadcast %shift_left3A_383 : i32 to vector<16xi32>
      %shift_left3A_385 = arith.shli %add3A_382, %shift_left3A_384 : vector<16xi32>
      %or3A_386 = arith.ori %shift_left3A_385, %add3A_369 : vector<16xi32>
      %jit3A = arith.constant -1 : i32
      %broadcast_in_dim3A_387 = vector.broadcast %jit3A : i32 to vector<16xi32>
      %select_n3A = arith.select %ge3A, %or3A_386, %broadcast_in_dim3A_387 : vector<16xi1>, vector<16xi32>
      %max3A = arith.maxsi %scan3A_255, %select_n3A : vector<16xi32>
      %or3A_388 = arith.ori %shift_left3A_385, %add3A_378 : vector<16xi32>
      %jit3A_389 = arith.constant -1 : i32
      %broadcast_in_dim3A_390 = vector.broadcast %jit3A_389 : i32 to vector<16xi32>
      %select_n3A_391 = arith.select %ge3A, %or3A_388, %broadcast_in_dim3A_390 : vector<16xi1>, vector<16xi32>
      %max3A_392 = arith.maxsi %scan3A_256, %select_n3A_391 : vector<16xi32>
      %add3A_393 = arith.addi %scan3A_254, %gather3A_375 : vector<16xi32>
      scf.yield %add3A_393, %max3A, %max3A_392 : vector<16xi32>, vector<16xi32>, vector<16xi32>
    }
    %scan3A_146 = arith.constant 16 : i32
    %broadcast_in_dim3A_147 = arith.constant true
    %broadcast_in_dim3A_148 = vector.broadcast %broadcast_in_dim3A_147 : i1 to vector<16xi1>
    %masked_cummax3A_149 = arith.constant -2147483648 : i32
    %masked_cummax3A_150 = vector.broadcast %masked_cummax3A_149 : i32 to vector<16xi32>
    %masked_cummax3A_151 = arith.xori %scan3A_145#1, %masked_cummax3A_150 : vector<16xi32>
    %masked_cummax3A_152 = tpu.scan <max>, %masked_cummax3A_151 masked %broadcast_in_dim3A_148 : vector<16xi32>, vector<16xi1> -> vector<16xi32>
    %masked_cummax3A_153 = arith.xori %masked_cummax3A_152, %masked_cummax3A_150 : vector<16xi32>
    %broadcast_in_dim3A_154 = arith.constant 15 : i32
    %broadcast_in_dim3A_155 = vector.broadcast %broadcast_in_dim3A_154 : i32 to vector<16x1xi32>
    %gather3A_156 = vector.shape_cast %broadcast_in_dim3A_155 : vector<16x1xi32> to vector<16xi32>
    %gather3A_157 = tpu.dynamic_gather %masked_cummax3A_153[%gather3A_156] in [0] : vector<16xi32>, vector<16xi32> -> vector<16xi32>
    %broadcast_in_dim3A_158 = arith.constant true
    %broadcast_in_dim3A_159 = vector.broadcast %broadcast_in_dim3A_158 : i1 to vector<16xi1>
    %masked_cummax3A_160 = arith.constant -2147483648 : i32
    %masked_cummax3A_161 = vector.broadcast %masked_cummax3A_160 : i32 to vector<16xi32>
    %masked_cummax3A_162 = arith.xori %scan3A_145#2, %masked_cummax3A_161 : vector<16xi32>
    %masked_cummax3A_163 = tpu.scan <max>, %masked_cummax3A_162 masked %broadcast_in_dim3A_159 : vector<16xi32>, vector<16xi1> -> vector<16xi32>
    %masked_cummax3A_164 = arith.xori %masked_cummax3A_163, %masked_cummax3A_161 : vector<16xi32>
    %broadcast_in_dim3A_165 = arith.constant 15 : i32
    %broadcast_in_dim3A_166 = vector.broadcast %broadcast_in_dim3A_165 : i32 to vector<16x1xi32>
    %gather3A_167 = vector.shape_cast %broadcast_in_dim3A_166 : vector<16x1xi32> to vector<16xi32>
    %gather3A_168 = tpu.dynamic_gather %masked_cummax3A_164[%gather3A_167] in [0] : vector<16xi32>, vector<16xi32> -> vector<16xi32>
    %shift_right_logical3A_169 = arith.constant 14 : i32
    %shift_right_logical3A_170 = vector.broadcast %shift_right_logical3A_169 : i32 to vector<16xi32>
    %shift_right_logical3A_171 = arith.shrui %gather3A_157, %shift_right_logical3A_170 : vector<16xi32>
    %and3A_172 = arith.constant 16383 : i32
    %and3A_173 = vector.broadcast %and3A_172 : i32 to vector<16xi32>
    %and3A_174 = arith.andi %gather3A_157, %and3A_173 : vector<16xi32>
    %and3A_175 = arith.constant 16383 : i32
    %and3A_176 = vector.broadcast %and3A_175 : i32 to vector<16xi32>
    %and3A_177 = arith.andi %gather3A_168, %and3A_176 : vector<16xi32>
    %sub3A_178 = arith.subi %and3A_177, %and3A_174 : vector<16xi32>
    %sub3A_179 = arith.subi %sub3A_119, %sub3A_178 : vector<16xi32>
    %shift_left3A_180 = arith.constant 7 : i32
    %shift_left3A_181 = vector.broadcast %shift_left3A_180 : i32 to vector<16xi32>
    %shift_left3A_182 = arith.shli %shift_right_logical3A_171, %shift_left3A_181 : vector<16xi32>
    %or3A_183 = arith.ori %or3A_123, %shift_left3A_182 : vector<16xi32>
    %scan3A_184 = arith.constant 0 : i32
    %scan3A_185 = arith.constant 0 : i32
    %scan3A_186 = arith.constant 256 : i32
    %scan3A_187 = arith.addi %scan3A_185, %scan3A_186 : i32
    %scan3A_188 = arith.constant 1 : i32
    scf.for %scan3A_253 = %scan3A_185 to %scan3A_187 step %scan3A_188  : i32 {
      %mul3A_254 = arith.constant 16 : i32
      %mul3A_255 = arith.muli %scan3A_253, %mul3A_254 : i32
      %swap3A_256 = arith.index_cast %mul3A_255 : i32 to index
      %swap3A_257 = tpu.vector_load %arg7[%swap3A_256] {strides = array<i32>} : memref<4096xi32, #tpu.memory_space<vmem>>, vector<16xi32>,
      tpu.vector_store %arg7[%swap3A_256], %broadcast_in_dim3A_1 {strides = array<i32>} : memref<4096xi32, #tpu.memory_space<vmem>>, vector<16xi32>,
    }
    %scan3A_189 = arith.constant 256 : i32
    %shift_right_arithmetic3A_190 = arith.constant 7 : i32
    %shift_right_arithmetic3A_191 = vector.broadcast %shift_right_arithmetic3A_190 : i32 to vector<16xi32>
    %shift_right_arithmetic3A_192 = arith.shrsi %or3A_183, %shift_right_arithmetic3A_191 : vector<16xi32>
    %scan3A_193 = arith.constant 0 : i32
    %scan3A_194 = arith.constant 0 : i32
    %scan3A_195 = arith.constant 546 : i32
    %scan3A_196 = arith.addi %scan3A_194, %scan3A_195 : i32
    %scan3A_197 = arith.constant 1 : i32
    scf.for %scan3A_253 = %scan3A_194 to %scan3A_196 step %scan3A_197  : i32 {
      %mul3A_254 = arith.constant 16 : i32
      %mul3A_255 = arith.muli %scan3A_253, %mul3A_254 : i32
      %get3A = arith.index_cast %mul3A_255 : i32 to index
      %get3A_256 = tpu.vector_load %arg5[%get3A] {strides = array<i32>} : memref<8736xi32, #tpu.memory_space<vmem>>, vector<16xi32>,
      %shift_right_arithmetic3A_257 = arith.constant 7 : i32
      %shift_right_arithmetic3A_258 = vector.broadcast %shift_right_arithmetic3A_257 : i32 to vector<16xi32>
      %shift_right_arithmetic3A_259 = arith.shrsi %get3A_256, %shift_right_arithmetic3A_258 : vector<16xi32>
      %eq3A = arith.cmpi eq, %shift_right_arithmetic3A_259, %shift_right_arithmetic3A_192 : vector<16xi32>
      %shift_right_arithmetic3A_260 = arith.constant 0 : i32
      %shift_right_arithmetic3A_261 = vector.broadcast %shift_right_arithmetic3A_260 : i32 to vector<16xi32>
      %shift_right_arithmetic3A_262 = arith.shrsi %get3A_256, %shift_right_arithmetic3A_261 : vector<16xi32>
      %and3A_263 = arith.constant 127 : i32
      %and3A_264 = vector.broadcast %and3A_263 : i32 to vector<16xi32>
      %and3A_265 = arith.andi %shift_right_arithmetic3A_262, %and3A_264 : vector<16xi32>
      %add3A_266 = arith.addi %mul3A_6, %and3A_265 : vector<16xi32>
      tpu.vector_store_idx %arg7[%add3A_266], %broadcast_in_dim3A_3 masked %eq3A {add = true} : memref<4096xi32, #tpu.memory_space<vmem>>[vector<16xi32>], vector<16xi32>, vector<16xi1>
    }
    %scan3A_198 = arith.constant 546 : i32
    %broadcast_in_dim3A_199 = arith.constant -1 : i32
    %broadcast_in_dim3A_200 = vector.broadcast %broadcast_in_dim3A_199 : i32 to vector<16xi32>
    %scan3A_201 = arith.constant 0 : i32
    %scan3A_202 = arith.constant 16 : i32
    %scan3A_203 = arith.addi %scan3A_201, %scan3A_202 : i32
    %scan3A_204 = arith.constant 1 : i32
    %scan3A_205:3 = scf.for %scan3A_253 = %scan3A_201 to %scan3A_203 step %scan3A_204 iter_args(%scan3A_254 = %broadcast_in_dim3A_1, %scan3A_255 = %broadcast_in_dim3A_200, %scan3A_256 = %broadcast_in_dim3A_200) -> (vector<16xi32>, vector<16xi32>, vector<16xi32>)  : i32 {
      %sub3A_257 = arith.constant 15 : i32
      %sub3A_258 = arith.subi %sub3A_257, %scan3A_253 : i32
      %mul3A_259 = arith.constant 16 : i32
      %mul3A_260 = arith.muli %sub3A_258, %mul3A_259 : i32
      %add3A_261 = arith.constant 0 : i32
      %add3A_262 = arith.addi %add3A_261, %mul3A_260 : i32
      %get3A = arith.index_cast %add3A_262 : i32 to index
      %get3A_263 = tpu.vector_load %arg7[%get3A] {strides = array<i32>} : memref<4096xi32, #tpu.memory_space<vmem>>, vector<16xi32>,
      %add3A_264 = arith.addi %broadcast_in_dim3A_1, %get3A_263 : vector<16xi32>
      %mul3A_265 = arith.constant 16 : i32
      %mul3A_266 = arith.muli %sub3A_258, %mul3A_265 : i32
      %add3A_267 = arith.constant 256 : i32
      %add3A_268 = arith.addi %add3A_267, %mul3A_266 : i32
      %get3A_269 = arith.index_cast %add3A_268 : i32 to index
      %get3A_270 = tpu.vector_load %arg7[%get3A_269] {strides = array<i32>} : memref<4096xi32, #tpu.memory_space<vmem>>, vector<16xi32>,
      %add3A_271 = arith.addi %add3A_264, %get3A_270 : vector<16xi32>
      %mul3A_272 = arith.constant 16 : i32
      %mul3A_273 = arith.muli %sub3A_258, %mul3A_272 : i32
      %add3A_274 = arith.constant 512 : i32
      %add3A_275 = arith.addi %add3A_274, %mul3A_273 : i32
      %get3A_276 = arith.index_cast %add3A_275 : i32 to index
      %get3A_277 = tpu.vector_load %arg7[%get3A_276] {strides = array<i32>} : memref<4096xi32, #tpu.memory_space<vmem>>, vector<16xi32>,
      %add3A_278 = arith.addi %add3A_271, %get3A_277 : vector<16xi32>
      %mul3A_279 = arith.constant 16 : i32
      %mul3A_280 = arith.muli %sub3A_258, %mul3A_279 : i32
      %add3A_281 = arith.constant 768 : i32
      %add3A_282 = arith.addi %add3A_281, %mul3A_280 : i32
      %get3A_283 = arith.index_cast %add3A_282 : i32 to index
      %get3A_284 = tpu.vector_load %arg7[%get3A_283] {strides = array<i32>} : memref<4096xi32, #tpu.memory_space<vmem>>, vector<16xi32>,
      %add3A_285 = arith.addi %add3A_278, %get3A_284 : vector<16xi32>
      %mul3A_286 = arith.constant 16 : i32
      %mul3A_287 = arith.muli %sub3A_258, %mul3A_286 : i32
      %add3A_288 = arith.constant 1024 : i32
      %add3A_289 = arith.addi %add3A_288, %mul3A_287 : i32
      %get3A_290 = arith.index_cast %add3A_289 : i32 to index
      %get3A_291 = tpu.vector_load %arg7[%get3A_290] {strides = array<i32>} : memref<4096xi32, #tpu.memory_space<vmem>>, vector<16xi32>,
      %add3A_292 = arith.addi %add3A_285, %get3A_291 : vector<16xi32>
      %mul3A_293 = arith.constant 16 : i32
      %mul3A_294 = arith.muli %sub3A_258, %mul3A_293 : i32
      %add3A_295 = arith.constant 1280 : i32
      %add3A_296 = arith.addi %add3A_295, %mul3A_294 : i32
      %get3A_297 = arith.index_cast %add3A_296 : i32 to index
      %get3A_298 = tpu.vector_load %arg7[%get3A_297] {strides = array<i32>} : memref<4096xi32, #tpu.memory_space<vmem>>, vector<16xi32>,
      %add3A_299 = arith.addi %add3A_292, %get3A_298 : vector<16xi32>
      %mul3A_300 = arith.constant 16 : i32
      %mul3A_301 = arith.muli %sub3A_258, %mul3A_300 : i32
      %add3A_302 = arith.constant 1536 : i32
      %add3A_303 = arith.addi %add3A_302, %mul3A_301 : i32
      %get3A_304 = arith.index_cast %add3A_303 : i32 to index
      %get3A_305 = tpu.vector_load %arg7[%get3A_304] {strides = array<i32>} : memref<4096xi32, #tpu.memory_space<vmem>>, vector<16xi32>,
      %add3A_306 = arith.addi %add3A_299, %get3A_305 : vector<16xi32>
      %mul3A_307 = arith.constant 16 : i32
      %mul3A_308 = arith.muli %sub3A_258, %mul3A_307 : i32
      %add3A_309 = arith.constant 1792 : i32
      %add3A_310 = arith.addi %add3A_309, %mul3A_308 : i32
      %get3A_311 = arith.index_cast %add3A_310 : i32 to index
      %get3A_312 = tpu.vector_load %arg7[%get3A_311] {strides = array<i32>} : memref<4096xi32, #tpu.memory_space<vmem>>, vector<16xi32>,
      %add3A_313 = arith.addi %add3A_306, %get3A_312 : vector<16xi32>
      %mul3A_314 = arith.constant 16 : i32
      %mul3A_315 = arith.muli %sub3A_258, %mul3A_314 : i32
      %add3A_316 = arith.constant 2048 : i32
      %add3A_317 = arith.addi %add3A_316, %mul3A_315 : i32
      %get3A_318 = arith.index_cast %add3A_317 : i32 to index
      %get3A_319 = tpu.vector_load %arg7[%get3A_318] {strides = array<i32>} : memref<4096xi32, #tpu.memory_space<vmem>>, vector<16xi32>,
      %add3A_320 = arith.addi %add3A_313, %get3A_319 : vector<16xi32>
      %mul3A_321 = arith.constant 16 : i32
      %mul3A_322 = arith.muli %sub3A_258, %mul3A_321 : i32
      %add3A_323 = arith.constant 2304 : i32
      %add3A_324 = arith.addi %add3A_323, %mul3A_322 : i32
      %get3A_325 = arith.index_cast %add3A_324 : i32 to index
      %get3A_326 = tpu.vector_load %arg7[%get3A_325] {strides = array<i32>} : memref<4096xi32, #tpu.memory_space<vmem>>, vector<16xi32>,
      %add3A_327 = arith.addi %add3A_320, %get3A_326 : vector<16xi32>
      %mul3A_328 = arith.constant 16 : i32
      %mul3A_329 = arith.muli %sub3A_258, %mul3A_328 : i32
      %add3A_330 = arith.constant 2560 : i32
      %add3A_331 = arith.addi %add3A_330, %mul3A_329 : i32
      %get3A_332 = arith.index_cast %add3A_331 : i32 to index
      %get3A_333 = tpu.vector_load %arg7[%get3A_332] {strides = array<i32>} : memref<4096xi32, #tpu.memory_space<vmem>>, vector<16xi32>,
      %add3A_334 = arith.addi %add3A_327, %get3A_333 : vector<16xi32>
      %mul3A_335 = arith.constant 16 : i32
      %mul3A_336 = arith.muli %sub3A_258, %mul3A_335 : i32
      %add3A_337 = arith.constant 2816 : i32
      %add3A_338 = arith.addi %add3A_337, %mul3A_336 : i32
      %get3A_339 = arith.index_cast %add3A_338 : i32 to index
      %get3A_340 = tpu.vector_load %arg7[%get3A_339] {strides = array<i32>} : memref<4096xi32, #tpu.memory_space<vmem>>, vector<16xi32>,
      %add3A_341 = arith.addi %add3A_334, %get3A_340 : vector<16xi32>
      %mul3A_342 = arith.constant 16 : i32
      %mul3A_343 = arith.muli %sub3A_258, %mul3A_342 : i32
      %add3A_344 = arith.constant 3072 : i32
      %add3A_345 = arith.addi %add3A_344, %mul3A_343 : i32
      %get3A_346 = arith.index_cast %add3A_345 : i32 to index
      %get3A_347 = tpu.vector_load %arg7[%get3A_346] {strides = array<i32>} : memref<4096xi32, #tpu.memory_space<vmem>>, vector<16xi32>,
      %add3A_348 = arith.addi %add3A_341, %get3A_347 : vector<16xi32>
      %mul3A_349 = arith.constant 16 : i32
      %mul3A_350 = arith.muli %sub3A_258, %mul3A_349 : i32
      %add3A_351 = arith.constant 3328 : i32
      %add3A_352 = arith.addi %add3A_351, %mul3A_350 : i32
      %get3A_353 = arith.index_cast %add3A_352 : i32 to index
      %get3A_354 = tpu.vector_load %arg7[%get3A_353] {strides = array<i32>} : memref<4096xi32, #tpu.memory_space<vmem>>, vector<16xi32>,
      %add3A_355 = arith.addi %add3A_348, %get3A_354 : vector<16xi32>
      %mul3A_356 = arith.constant 16 : i32
      %mul3A_357 = arith.muli %sub3A_258, %mul3A_356 : i32
      %add3A_358 = arith.constant 3584 : i32
      %add3A_359 = arith.addi %add3A_358, %mul3A_357 : i32
      %get3A_360 = arith.index_cast %add3A_359 : i32 to index
      %get3A_361 = tpu.vector_load %arg7[%get3A_360] {strides = array<i32>} : memref<4096xi32, #tpu.memory_space<vmem>>, vector<16xi32>,
      %add3A_362 = arith.addi %add3A_355, %get3A_361 : vector<16xi32>
      %mul3A_363 = arith.constant 16 : i32
      %mul3A_364 = arith.muli %sub3A_258, %mul3A_363 : i32
      %add3A_365 = arith.constant 3840 : i32
      %add3A_366 = arith.addi %add3A_365, %mul3A_364 : i32
      %get3A_367 = arith.index_cast %add3A_366 : i32 to index
      %get3A_368 = tpu.vector_load %arg7[%get3A_367] {strides = array<i32>} : memref<4096xi32, #tpu.memory_space<vmem>>, vector<16xi32>,
      %add3A_369 = arith.addi %add3A_362, %get3A_368 : vector<16xi32>
      %broadcast_in_dim3A_370 = arith.constant true
      %broadcast_in_dim3A_371 = vector.broadcast %broadcast_in_dim3A_370 : i1 to vector<16xi1>
      %masked_cumsum3A = tpu.scan <sum>, %add3A_369 masked %broadcast_in_dim3A_371 : vector<16xi32>, vector<16xi1> -> vector<16xi32>
      %broadcast_in_dim3A_372 = arith.constant 15 : i32
      %broadcast_in_dim3A_373 = vector.broadcast %broadcast_in_dim3A_372 : i32 to vector<16x1xi32>
      %gather3A_374 = vector.shape_cast %broadcast_in_dim3A_373 : vector<16x1xi32> to vector<16xi32>
      %gather3A_375 = tpu.dynamic_gather %masked_cumsum3A[%gather3A_374] in [0] : vector<16xi32>, vector<16xi32> -> vector<16xi32>
      %add3A_376 = arith.addi %scan3A_254, %gather3A_375 : vector<16xi32>
      %sub3A_377 = arith.subi %add3A_376, %masked_cumsum3A : vector<16xi32>
      %add3A_378 = arith.addi %sub3A_377, %add3A_369 : vector<16xi32>
      %mul3A_379 = arith.constant 16 : i32
      %mul3A_380 = arith.muli %sub3A_258, %mul3A_379 : i32
      %add3A_381 = vector.broadcast %mul3A_380 : i32 to vector<16xi32>
      %add3A_382 = arith.addi %add3A_381, %iota3A : vector<16xi32>
      %ge3A = arith.cmpi sge, %add3A_378, %sub3A_179 : vector<16xi32>
      %shift_left3A_383 = arith.constant 14 : i32
      %shift_left3A_384 = vector.broadcast %shift_left3A_383 : i32 to vector<16xi32>
      %shift_left3A_385 = arith.shli %add3A_382, %shift_left3A_384 : vector<16xi32>
      %or3A_386 = arith.ori %shift_left3A_385, %add3A_369 : vector<16xi32>
      %jit3A = arith.constant -1 : i32
      %broadcast_in_dim3A_387 = vector.broadcast %jit3A : i32 to vector<16xi32>
      %select_n3A = arith.select %ge3A, %or3A_386, %broadcast_in_dim3A_387 : vector<16xi1>, vector<16xi32>
      %max3A = arith.maxsi %scan3A_255, %select_n3A : vector<16xi32>
      %or3A_388 = arith.ori %shift_left3A_385, %add3A_378 : vector<16xi32>
      %jit3A_389 = arith.constant -1 : i32
      %broadcast_in_dim3A_390 = vector.broadcast %jit3A_389 : i32 to vector<16xi32>
      %select_n3A_391 = arith.select %ge3A, %or3A_388, %broadcast_in_dim3A_390 : vector<16xi1>, vector<16xi32>
      %max3A_392 = arith.maxsi %scan3A_256, %select_n3A_391 : vector<16xi32>
      %add3A_393 = arith.addi %scan3A_254, %gather3A_375 : vector<16xi32>
      scf.yield %add3A_393, %max3A, %max3A_392 : vector<16xi32>, vector<16xi32>, vector<16xi32>
    }
    %scan3A_206 = arith.constant 16 : i32
    %broadcast_in_dim3A_207 = arith.constant true
    %broadcast_in_dim3A_208 = vector.broadcast %broadcast_in_dim3A_207 : i1 to vector<16xi1>
    %masked_cummax3A_209 = arith.constant -2147483648 : i32
    %masked_cummax3A_210 = vector.broadcast %masked_cummax3A_209 : i32 to vector<16xi32>
    %masked_cummax3A_211 = arith.xori %scan3A_205#1, %masked_cummax3A_210 : vector<16xi32>
    %masked_cummax3A_212 = tpu.scan <max>, %masked_cummax3A_211 masked %broadcast_in_dim3A_208 : vector<16xi32>, vector<16xi1> -> vector<16xi32>
    %masked_cummax3A_213 = arith.xori %masked_cummax3A_212, %masked_cummax3A_210 : vector<16xi32>
    %broadcast_in_dim3A_214 = arith.constant 15 : i32
    %broadcast_in_dim3A_215 = vector.broadcast %broadcast_in_dim3A_214 : i32 to vector<16x1xi32>
    %gather3A_216 = vector.shape_cast %broadcast_in_dim3A_215 : vector<16x1xi32> to vector<16xi32>
    %gather3A_217 = tpu.dynamic_gather %masked_cummax3A_213[%gather3A_216] in [0] : vector<16xi32>, vector<16xi32> -> vector<16xi32>
    %broadcast_in_dim3A_218 = arith.constant true
    %broadcast_in_dim3A_219 = vector.broadcast %broadcast_in_dim3A_218 : i1 to vector<16xi1>
    %masked_cummax3A_220 = arith.constant -2147483648 : i32
    %masked_cummax3A_221 = vector.broadcast %masked_cummax3A_220 : i32 to vector<16xi32>
    %masked_cummax3A_222 = arith.xori %scan3A_205#2, %masked_cummax3A_221 : vector<16xi32>
    %masked_cummax3A_223 = tpu.scan <max>, %masked_cummax3A_222 masked %broadcast_in_dim3A_219 : vector<16xi32>, vector<16xi1> -> vector<16xi32>
    %masked_cummax3A_224 = arith.xori %masked_cummax3A_223, %masked_cummax3A_221 : vector<16xi32>
    %broadcast_in_dim3A_225 = arith.constant 15 : i32
    %broadcast_in_dim3A_226 = vector.broadcast %broadcast_in_dim3A_225 : i32 to vector<16x1xi32>
    %gather3A_227 = vector.shape_cast %broadcast_in_dim3A_226 : vector<16x1xi32> to vector<16xi32>
    %gather3A_228 = tpu.dynamic_gather %masked_cummax3A_224[%gather3A_227] in [0] : vector<16xi32>, vector<16xi32> -> vector<16xi32>
    %shift_right_logical3A_229 = arith.constant 14 : i32
    %shift_right_logical3A_230 = vector.broadcast %shift_right_logical3A_229 : i32 to vector<16xi32>
    %shift_right_logical3A_231 = arith.shrui %gather3A_217, %shift_right_logical3A_230 : vector<16xi32>
    %and3A_232 = arith.constant 16383 : i32
    %and3A_233 = vector.broadcast %and3A_232 : i32 to vector<16xi32>
    %and3A_234 = arith.andi %gather3A_217, %and3A_233 : vector<16xi32>
    %and3A_235 = arith.constant 16383 : i32
    %and3A_236 = vector.broadcast %and3A_235 : i32 to vector<16xi32>
    %and3A_237 = arith.andi %gather3A_228, %and3A_236 : vector<16xi32>
    %sub3A_238 = arith.subi %and3A_237, %and3A_234 : vector<16xi32>
    %sub3A_239 = arith.subi %sub3A_179, %sub3A_238 : vector<16xi32>
    %shift_left3A_240 = arith.constant 0 : i32
    %shift_left3A_241 = vector.broadcast %shift_left3A_240 : i32 to vector<16xi32>
    %shift_left3A_242 = arith.shli %shift_right_logical3A_231, %shift_left3A_241 : vector<16xi32>
    %or3A_243 = arith.ori %or3A_183, %shift_left3A_242 : vector<16xi32>
    %broadcast_in_dim3A_244 = arith.constant 0.000000e+00 : f32
    %broadcast_in_dim3A_245 = vector.broadcast %broadcast_in_dim3A_244 : f32 to vector<16xf32>
    %scan3A_246 = arith.constant 0 : i32
    %scan3A_247 = arith.constant 546 : i32
    %scan3A_248 = arith.addi %scan3A_246, %scan3A_247 : i32
    %scan3A_249 = arith.constant 1 : i32
    %scan3A_250:2 = scf.for %scan3A_253 = %scan3A_246 to %scan3A_248 step %scan3A_249 iter_args(%scan3A_254 = %broadcast_in_dim3A_245, %scan3A_255 = %broadcast_in_dim3A_1) -> (vector<16xf32>, vector<16xi32>)  : i32 {
      %mul3A_256 = arith.constant 16 : i32
      %mul3A_257 = arith.muli %scan3A_253, %mul3A_256 : i32
      %get3A = arith.index_cast %mul3A_257 : i32 to index
      %get3A_258 = tpu.vector_load %arg5[%get3A] {strides = array<i32>} : memref<8736xi32, #tpu.memory_space<vmem>>, vector<16xi32>,
      %mul3A_259 = arith.constant 16 : i32
      %mul3A_260 = arith.muli %scan3A_253, %mul3A_259 : i32
      %get3A_261 = arith.index_cast %mul3A_260 : i32 to index
      %get3A_262 = tpu.vector_load %arg6[%get3A_261] {strides = array<i32>} : memref<8736xf32, #tpu.memory_space<vmem>>, vector<16xf32>,
      %gt3A = arith.cmpi sgt, %get3A_258, %or3A_243 : vector<16xi32>
      %jit3A = arith.constant 0.000000e+00 : f32
      %broadcast_in_dim3A_263 = vector.broadcast %jit3A : f32 to vector<16xf32>
      %select_n3A = arith.select %gt3A, %get3A_262, %broadcast_in_dim3A_263 : vector<16xi1>, vector<16xf32>
      %add3A_264 = arith.addf %scan3A_254, %select_n3A : vector<16xf32>
      %eq3A = arith.cmpi eq, %get3A_258, %or3A_243 : vector<16xi32>
      %select_n3A_265 = arith.select %eq3A, %broadcast_in_dim3A_3, %broadcast_in_dim3A_1 : vector<16xi1>, vector<16xi32>
      %broadcast_in_dim3A_266 = arith.constant true
      %broadcast_in_dim3A_267 = vector.broadcast %broadcast_in_dim3A_266 : i1 to vector<16xi1>
      %masked_cumsum3A = tpu.scan <sum>, %select_n3A_265 masked %broadcast_in_dim3A_267 : vector<16xi32>, vector<16xi1> -> vector<16xi32>
      %add3A_268 = arith.addi %scan3A_255, %masked_cumsum3A : vector<16xi32>
      %sub3A_269 = arith.subi %add3A_268, %select_n3A_265 : vector<16xi32>
      %lt3A = arith.cmpi slt, %sub3A_269, %sub3A_239 : vector<16xi32>
      %and3A_270 = arith.andi %eq3A, %lt3A : vector<16xi1>
      %jit3A_271 = arith.constant 0.000000e+00 : f32
      %broadcast_in_dim3A_272 = vector.broadcast %jit3A_271 : f32 to vector<16xf32>
      %select_n3A_273 = arith.select %and3A_270, %get3A_262, %broadcast_in_dim3A_272 : vector<16xi1>, vector<16xf32>
      %add3A_274 = arith.addf %add3A_264, %select_n3A_273 : vector<16xf32>
      %all_reduce_population_count3A = tpu.all_reduce %eq3A {dim = 0 : i64, kind = #tpu.reduction_kind<sum>} : vector<16xi1> -> vector<16xi32>
      %add3A_275 = arith.addi %scan3A_255, %all_reduce_population_count3A : vector<16xi32>
      scf.yield %add3A_274, %add3A_275 : vector<16xf32>, vector<16xi32>
    }
    %scan3A_251 = arith.constant 546 : i32
    %swap3A = arith.constant 0 : index
    %swap3A_252 = tpu.vector_load %arg8[%swap3A] {strides = array<i32>} : memref<16xf32, #tpu.memory_space<vmem>>, vector<16xf32>,
    tpu.vector_store %arg8[%swap3A], %scan3A_250#0 {strides = array<i32>} : memref<16xf32, #tpu.memory_space<vmem>>, vector<16xf32>,
    "tpu.region"() ({
      %run_scoped3A = tpu.sem_alloc : memref<!tpu.dma_semaphore, #tpu.memory_space<semaphore_mem>>
      %dma_start3A = arith.constant 0 : i32
      %dma_start3A_253 = tpu.memref_slice %arg4[%add3A, %dma_start3A] : memref<32x16xf32, #tpu.memory_space<hbm>> -> memref<1x16xf32, #tpu.memory_space<hbm>>
      %dma_start3A_254 = tpu.memref_squeeze %dma_start3A_253 : memref<1x16xf32, #tpu.memory_space<hbm>> -> memref<16xf32, #tpu.memory_space<hbm>>
      %dma_start3A_255 = arith.constant 0 : i32
      %dma_start3A_256 = tpu.memref_slice %arg4[%add3A, %dma_start3A_255] : memref<32x16xf32, #tpu.memory_space<hbm>> -> memref<1x16xf32, #tpu.memory_space<hbm>>
      %dma_start3A_257 = tpu.memref_squeeze %dma_start3A_256 : memref<1x16xf32, #tpu.memory_space<hbm>> -> memref<16xf32, #tpu.memory_space<hbm>>
      tpu.enqueue_dma source(%arg8 : memref<16xf32, #tpu.memory_space<vmem>>) target(%dma_start3A_257 : memref<16xf32, #tpu.memory_space<hbm>>) target_semaphore(%run_scoped3A : memref<!tpu.dma_semaphore, #tpu.memory_space<semaphore_mem>>)
      %dma_wait3A = arith.constant 0 : i32
      %dma_wait3A_258 = tpu.memref_slice %arg4[%add3A, %dma_wait3A] : memref<32x16xf32, #tpu.memory_space<hbm>> -> memref<1x16xf32, #tpu.memory_space<hbm>>
      %dma_wait3A_259 = tpu.memref_squeeze %dma_wait3A_258 : memref<1x16xf32, #tpu.memory_space<hbm>> -> memref<16xf32, #tpu.memory_space<hbm>>
      %dma_wait3A_260 = arith.constant 0 : i32
      %dma_wait3A_261 = tpu.memref_slice %arg4[%add3A, %dma_wait3A_260] : memref<32x16xf32, #tpu.memory_space<hbm>> -> memref<1x16xf32, #tpu.memory_space<hbm>>
      %dma_wait3A_262 = tpu.memref_squeeze %dma_wait3A_261 : memref<1x16xf32, #tpu.memory_space<hbm>> -> memref<16xf32, #tpu.memory_space<hbm>>
      tpu.wait_dma2 semaphore(%run_scoped3A : memref<!tpu.dma_semaphore, #tpu.memory_space<semaphore_mem>>) src(%arg8 : memref<16xf32, #tpu.memory_space<vmem>>) dst(%dma_wait3A_262 : memref<16xf32, #tpu.memory_space<hbm>>)
      tpu.yield
    }) : () -> ()
    return
  }
}

module attributes {stable_mosaic.version = 14 : i64} {
  func.func @_stage_a_body(%arg0: i32, %arg1: i32, %arg2: memref<1x1x8736xi32, #tpu.memory_space<vmem>>, %arg3: memref<1x8736x85xf32, #tpu.memory_space<vmem>>, %arg4: memref<1x8736x85xf32, #tpu.memory_space<vmem>>, %arg5: memref<1x1x8736xi32, #tpu.memory_space<vmem>>, %arg6: memref<1x1x8736xf32, #tpu.memory_space<vmem>>, %arg7: memref<1x1xf32, #tpu.memory_space<vmem>>, %arg8: memref<1x1xf32, #tpu.memory_space<vmem>>, %arg9: memref<1x1xf32, #tpu.memory_space<vmem>>) attributes {dimension_semantics = [#tpu.dimension_semantics<arbitrary>, #tpu.dimension_semantics<arbitrary>], iteration_bounds = array<i64: 32, 1>, scalar_prefetch = 0 : i64, scratch_operands = 0 : i64, tpu.core_type = #tpu.core_type<tc>, window_params = [{transform_indices = @transform_0, window_bounds = array<i64: 1, 1, 8736>}, {transform_indices = @transform_1, window_bounds = array<i64: 1, 8736, 85>}, {transform_indices = @transform_2, window_bounds = array<i64: 1, 8736, 85>}, {transform_indices = @transform_3, window_bounds = array<i64: 1, 1, 8736>}, {transform_indices = @transform_4, window_bounds = array<i64: 1, 1, 8736>}, {pipeline_mode = #tpu.pipeline_mode<synchronous>, transform_indices = @transform_5, window_bounds = array<i64: 1, 1>}, {pipeline_mode = #tpu.pipeline_mode<synchronous>, transform_indices = @transform_6, window_bounds = array<i64: 1, 1>}, {pipeline_mode = #tpu.pipeline_mode<synchronous>, transform_indices = @transform_7, window_bounds = array<i64: 1, 1>}]} {
    %get3A = arith.constant 0 : index
    %get3A_0 = arith.constant 0 : index
    %get3A_1 = arith.constant 0 : index
    %get3A_2 = vector.load %arg3[%get3A, %get3A_0, %get3A_1] : memref<1x8736x85xf32, #tpu.memory_space<vmem>>, vector<1x8736x85xf32>
    %get3A_3 = vector.shape_cast %get3A_2 : vector<1x8736x85xf32> to vector<8736x85xf32>
    %get3A_4 = arith.constant 0 : index
    %get3A_5 = arith.constant 0 : index
    %get3A_6 = arith.constant 0 : index
    %get3A_7 = vector.load %arg4[%get3A_4, %get3A_5, %get3A_6] : memref<1x8736x85xf32, #tpu.memory_space<vmem>>, vector<1x8736x85xf32>
    %get3A_8 = vector.shape_cast %get3A_7 : vector<1x8736x85xf32> to vector<8736x85xf32>
    %get3A_9 = arith.constant 0 : index
    %get3A_10 = arith.constant 0 : index
    %get3A_11 = arith.constant 0 : index
    %get3A_12 = vector.load %arg2[%get3A_9, %get3A_10, %get3A_11] : memref<1x1x8736xi32, #tpu.memory_space<vmem>>, vector<1x1x8736xi32>
    %get3A_13 = vector.shape_cast %get3A_12 : vector<1x1x8736xi32> to vector<1x8736xi32>
    %transpose3A = tpu.transpose %get3A_3, [1, 0] : vector<8736x85xf32> -> vector<85x8736xf32>
    %transpose3A_14 = tpu.transpose %get3A_8, [1, 0] : vector<8736x85xf32> -> vector<85x8736xf32>
    %iota3A = tpu.iota {dimensions = array<i32: 0>} : vector<85x8736xi32>
    %iota3A_15 = tpu.iota {dimensions = array<i32: 1>} : vector<1x8736xi32>
    %mul3A = arith.constant 8736 : i32
    %mul3A_16 = arith.muli %arg1, %mul3A : i32
    %add3A = vector.broadcast %mul3A_16 : i32 to vector<1x8736xi32>
    %add3A_17 = arith.addi %add3A, %iota3A_15 : vector<1x8736xi32>
    %lt3A = arith.constant 8732 : i32
    %lt3A_18 = vector.broadcast %lt3A : i32 to vector<1x8736xi32>
    %lt3A_19 = arith.cmpi slt, %add3A_17, %lt3A_18 : vector<1x8736xi32>
    %gt3A = arith.constant 0 : i32
    %gt3A_20 = vector.broadcast %gt3A : i32 to vector<1x8736xi32>
    %gt3A_21 = arith.cmpi sgt, %get3A_13, %gt3A_20 : vector<1x8736xi32>
    %and3A = arith.andi %gt3A_21, %lt3A_19 : vector<1x8736xi1>
    %slice3A = vector.extract_strided_slice %transpose3A {offsets = [0, 0], sizes = [8, 8736], strides = [1, 1]} : vector<85x8736xf32> to vector<8x8736xf32>
    %slice3A_22 = vector.extract_strided_slice %transpose3A_14 {offsets = [0, 0], sizes = [8, 8736], strides = [1, 1]} : vector<85x8736xf32> to vector<8x8736xf32>
    %sub3A = arith.subf %slice3A, %slice3A_22 : vector<8x8736xf32>
    %abs3A = math.absf %sub3A : vector<8x8736xf32>
    %slice3A_23 = vector.extract_strided_slice %iota3A {offsets = [0, 0], sizes = [8, 8736], strides = [1, 1]} : vector<85x8736xi32> to vector<8x8736xi32>
    %lt3A_24 = arith.constant 4 : i32
    %lt3A_25 = vector.broadcast %lt3A_24 : i32 to vector<8x8736xi32>
    %lt3A_26 = arith.cmpi slt, %slice3A_23, %lt3A_25 : vector<8x8736xi32>
    %lt3A_27 = arith.constant 1.000000e+00 : f32
    %lt3A_28 = vector.broadcast %lt3A_27 : f32 to vector<8x8736xf32>
    %lt3A_29 = arith.cmpf olt, %abs3A, %lt3A_28 : vector<8x8736xf32>
    %mul3A_30 = arith.constant 5.000000e-01 : f32
    %mul3A_31 = vector.broadcast %mul3A_30 : f32 to vector<8x8736xf32>
    %mul3A_32 = arith.mulf %mul3A_31, %sub3A : vector<8x8736xf32>
    %mul3A_33 = arith.mulf %mul3A_32, %sub3A : vector<8x8736xf32>
    %sub3A_34 = arith.constant 5.000000e-01 : f32
    %sub3A_35 = vector.broadcast %sub3A_34 : f32 to vector<8x8736xf32>
    %sub3A_36 = arith.subf %abs3A, %sub3A_35 : vector<8x8736xf32>
    %select_n3A = arith.select %lt3A_29, %mul3A_33, %sub3A_36 : vector<8x8736xi1>, vector<8x8736xf32>
    %jit3A = arith.constant 0.000000e+00 : f32
    %broadcast_in_dim3A = vector.broadcast %jit3A : f32 to vector<8x8736xf32>
    %select_n3A_37 = arith.select %lt3A_26, %select_n3A, %broadcast_in_dim3A : vector<8x8736xi1>, vector<8x8736xf32>
    %reduce_sum3A = arith.constant dense<0.000000e+00> : vector<8736xf32>
    %reduce_sum3A_38 = vector.multi_reduction <add>, %select_n3A_37, %reduce_sum3A [0] : vector<8x8736xf32> to vector<8736xf32>
    %broadcast_in_dim3A_39 = vector.shape_cast %reduce_sum3A_38 : vector<8736xf32> to vector<1x8736xf32>
    %ge3A = arith.constant 4 : i32
    %ge3A_40 = vector.broadcast %ge3A : i32 to vector<85x8736xi32>
    %ge3A_41 = arith.cmpi sge, %iota3A, %ge3A_40 : vector<85x8736xi32>
    %jit3A_42 = arith.constant 0xFF800000 : f32
    %broadcast_in_dim3A_43 = vector.broadcast %jit3A_42 : f32 to vector<85x8736xf32>
    %select_n3A_44 = arith.select %ge3A_41, %transpose3A, %broadcast_in_dim3A_43 : vector<85x8736xi1>, vector<85x8736xf32>
    %reduce_max3A = arith.constant dense<0xFF800000> : vector<8736xf32>
    %reduce_max3A_45 = vector.multi_reduction <maximumf>, %select_n3A_44, %reduce_max3A [0] : vector<85x8736xf32> to vector<8736xf32>
    %broadcast_in_dim3A_46 = vector.shape_cast %reduce_max3A_45 : vector<8736xf32> to vector<1x8736xf32>
    %sub3A_47 = vector.broadcast %broadcast_in_dim3A_46 : vector<1x8736xf32> to vector<85x8736xf32>
    %sub3A_48 = arith.subf %select_n3A_44, %sub3A_47 : vector<85x8736xf32>
    %exp3A = math.exp %sub3A_48 : vector<85x8736xf32>
    %reduce_sum3A_49 = arith.constant dense<0.000000e+00> : vector<8736xf32>
    %reduce_sum3A_50 = vector.multi_reduction <add>, %exp3A, %reduce_sum3A_49 [0] : vector<85x8736xf32> to vector<8736xf32>
    %broadcast_in_dim3A_51 = vector.shape_cast %reduce_sum3A_50 : vector<8736xf32> to vector<1x8736xf32>
    %log3A = math.log %broadcast_in_dim3A_51 : vector<1x8736xf32>
    %add3A_52 = arith.addf %log3A, %broadcast_in_dim3A_46 : vector<1x8736xf32>
    %slice3A_53 = vector.extract_strided_slice %transpose3A {offsets = [84, 0], sizes = [1, 8736], strides = [1, 1]} : vector<85x8736xf32> to vector<1x8736xf32>
    %sub3A_54 = arith.subf %add3A_52, %slice3A_53 : vector<1x8736xf32>
    %max3A = arith.constant 0.000000e+00 : f32
    %max3A_55 = vector.broadcast %max3A : f32 to vector<1x8736xf32>
    %max3A_56 = arith.maximumf %sub3A_54, %max3A_55 : vector<1x8736xf32>
    %jit3A_57 = arith.constant 0xFF800000 : f32
    %broadcast_in_dim3A_58 = vector.broadcast %jit3A_57 : f32 to vector<85x8736xf32>
    %select_n3A_59 = arith.select %ge3A_41, %transpose3A_14, %broadcast_in_dim3A_58 : vector<85x8736xi1>, vector<85x8736xf32>
    %reduce_max3A_60 = arith.constant dense<0xFF800000> : vector<8736xf32>
    %reduce_max3A_61 = vector.multi_reduction <maximumf>, %select_n3A_59, %reduce_max3A_60 [0] : vector<85x8736xf32> to vector<8736xf32>
    %broadcast_in_dim3A_62 = vector.shape_cast %reduce_max3A_61 : vector<8736xf32> to vector<1x8736xf32>
    %eq3A = vector.broadcast %broadcast_in_dim3A_62 : vector<1x8736xf32> to vector<85x8736xf32>
    %eq3A_63 = arith.cmpf oeq, %select_n3A_59, %eq3A : vector<85x8736xf32>
    %jit3A_64 = arith.constant 170 : i32
    %broadcast_in_dim3A_65 = vector.broadcast %jit3A_64 : i32 to vector<85x8736xi32>
    %select_n3A_66 = arith.select %eq3A_63, %iota3A, %broadcast_in_dim3A_65 : vector<85x8736xi1>, vector<85x8736xi32>
    %reduce_min3A = arith.constant dense<2147483647> : vector<8736xi32>
    %reduce_min3A_67 = vector.multi_reduction <minsi>, %select_n3A_66, %reduce_min3A [0] : vector<85x8736xi32> to vector<8736xi32>
    %broadcast_in_dim3A_68 = vector.shape_cast %reduce_min3A_67 : vector<8736xi32> to vector<1x8736xi32>
    %eq3A_69 = vector.broadcast %broadcast_in_dim3A_68 : vector<1x8736xi32> to vector<85x8736xi32>
    %eq3A_70 = arith.cmpi eq, %iota3A, %eq3A_69 : vector<85x8736xi32>
    %jit3A_71 = arith.constant 0.000000e+00 : f32
    %broadcast_in_dim3A_72 = vector.broadcast %jit3A_71 : f32 to vector<85x8736xf32>
    %select_n3A_73 = arith.select %eq3A_70, %transpose3A, %broadcast_in_dim3A_72 : vector<85x8736xi1>, vector<85x8736xf32>
    %reduce_sum3A_74 = arith.constant dense<0.000000e+00> : vector<8736xf32>
    %reduce_sum3A_75 = vector.multi_reduction <add>, %select_n3A_73, %reduce_sum3A_74 [0] : vector<85x8736xf32> to vector<8736xf32>
    %broadcast_in_dim3A_76 = vector.shape_cast %reduce_sum3A_75 : vector<8736xf32> to vector<1x8736xf32>
    %sub3A_77 = arith.subf %add3A_52, %broadcast_in_dim3A_76 : vector<1x8736xf32>
    %bitcast_convert_type3A = tpu.bitcast %max3A_56 : vector<1x8736xf32> -> vector<1x8736xi32>
    %jit3A_78 = arith.constant -2147483648 : i32
    %broadcast_in_dim3A_79 = vector.broadcast %jit3A_78 : i32 to vector<1x8736xi32>
    %select_n3A_80 = arith.select %and3A, %broadcast_in_dim3A_79, %bitcast_convert_type3A : vector<1x8736xi1>, vector<1x8736xi32>
    %jit3A_81 = arith.constant -1 : i32
    %broadcast_in_dim3A_82 = vector.broadcast %jit3A_81 : i32 to vector<1x8736xi32>
    %select_n3A_83 = arith.select %lt3A_19, %select_n3A_80, %broadcast_in_dim3A_82 : vector<1x8736xi1>, vector<1x8736xi32>
    %swap3A = arith.constant 0 : index
    %swap3A_84 = arith.constant 0 : index
    %swap3A_85 = arith.constant 0 : index
    %swap3A_86 = vector.load %arg5[%swap3A, %swap3A_84, %swap3A_85] : memref<1x1x8736xi32, #tpu.memory_space<vmem>>, vector<1x1x8736xi32>
    %swap3A_87 = vector.shape_cast %swap3A_86 : vector<1x1x8736xi32> to vector<1x8736xi32>
    %swap3A_88 = vector.shape_cast %select_n3A_83 : vector<1x8736xi32> to vector<1x1x8736xi32>
    tpu.vector_store %arg5[%swap3A, %swap3A_84, %swap3A_85], %swap3A_88 {strides = array<i32>} : memref<1x1x8736xi32, #tpu.memory_space<vmem>>, vector<1x1x8736xi32>,
    %swap3A_89 = arith.constant 0 : index
    %swap3A_90 = arith.constant 0 : index
    %swap3A_91 = arith.constant 0 : index
    %swap3A_92 = vector.load %arg6[%swap3A_89, %swap3A_90, %swap3A_91] : memref<1x1x8736xf32, #tpu.memory_space<vmem>>, vector<1x1x8736xf32>
    %swap3A_93 = vector.shape_cast %swap3A_92 : vector<1x1x8736xf32> to vector<1x8736xf32>
    %swap3A_94 = vector.shape_cast %sub3A_77 : vector<1x8736xf32> to vector<1x1x8736xf32>
    tpu.vector_store %arg6[%swap3A_89, %swap3A_90, %swap3A_91], %swap3A_94 {strides = array<i32>} : memref<1x1x8736xf32, #tpu.memory_space<vmem>>, vector<1x1x8736xf32>,
    %eq3A_95 = arith.constant 0 : i32
    %eq3A_96 = arith.cmpi eq, %arg0, %eq3A_95 : i32
    %eq3A_97 = arith.constant 0 : i32
    %eq3A_98 = arith.cmpi eq, %arg1, %eq3A_97 : i32
    %and3A_99 = arith.andi %eq3A_96, %eq3A_98 : i1
    %convert_element_type3A = arith.extui %and3A_99 : i1 to i32
    %cond3A = arith.constant 0 : i32
    %cond3A_100 = arith.cmpi ne, %convert_element_type3A, %cond3A : i32
    scf.if %cond3A_100 {
      %broadcast_in_dim3A_151 = arith.constant 0.000000e+00 : f32
      %broadcast_in_dim3A_152 = vector.broadcast %broadcast_in_dim3A_151 : f32 to vector<1x1xf32>
      %swap3A_153 = arith.constant 0 : index
      %swap3A_154 = arith.constant 0 : index
      %swap3A_155 = vector.load %arg7[%swap3A_153, %swap3A_154] : memref<1x1xf32, #tpu.memory_space<vmem>>, vector<1x1xf32>
      tpu.vector_store %arg7[%swap3A_153, %swap3A_154], %broadcast_in_dim3A_152 {strides = array<i32>} : memref<1x1xf32, #tpu.memory_space<vmem>>, vector<1x1xf32>,
      %broadcast_in_dim3A_156 = arith.constant 0.000000e+00 : f32
      %broadcast_in_dim3A_157 = vector.broadcast %broadcast_in_dim3A_156 : f32 to vector<1x1xf32>
      %swap3A_158 = arith.constant 0 : index
      %swap3A_159 = arith.constant 0 : index
      %swap3A_160 = vector.load %arg8[%swap3A_158, %swap3A_159] : memref<1x1xf32, #tpu.memory_space<vmem>>, vector<1x1xf32>
      tpu.vector_store %arg8[%swap3A_158, %swap3A_159], %broadcast_in_dim3A_157 {strides = array<i32>} : memref<1x1xf32, #tpu.memory_space<vmem>>, vector<1x1xf32>,
      %broadcast_in_dim3A_161 = arith.constant 0.000000e+00 : f32
      %broadcast_in_dim3A_162 = vector.broadcast %broadcast_in_dim3A_161 : f32 to vector<1x1xf32>
      %swap3A_163 = arith.constant 0 : index
      %swap3A_164 = arith.constant 0 : index
      %swap3A_165 = vector.load %arg9[%swap3A_163, %swap3A_164] : memref<1x1xf32, #tpu.memory_space<vmem>>, vector<1x1xf32>
      tpu.vector_store %arg9[%swap3A_163, %swap3A_164], %broadcast_in_dim3A_162 {strides = array<i32>} : memref<1x1xf32, #tpu.memory_space<vmem>>, vector<1x1xf32>,
    } else {
    }
    %get3A_101 = arith.constant 0 : index
    %get3A_102 = arith.constant 0 : index
    %get3A_103 = vector.load %arg7[%get3A_101, %get3A_102] : memref<1x1xf32, #tpu.memory_space<vmem>>, vector<1x1xf32>
    %jit3A_104 = arith.constant 0.000000e+00 : f32
    %broadcast_in_dim3A_105 = vector.broadcast %jit3A_104 : f32 to vector<1x8736xf32>
    %select_n3A_106 = arith.select %and3A, %broadcast_in_dim3A_39, %broadcast_in_dim3A_105 : vector<1x8736xi1>, vector<1x8736xf32>
    %reduce_sum3A_107 = vector.shape_cast %select_n3A_106 : vector<1x8736xf32> to vector<1x1x8736xf32>
    %reduce_sum3A_108 = arith.constant dense<0.000000e+00> : vector<1xf32>
    %reduce_sum3A_109 = vector.multi_reduction <add>, %reduce_sum3A_107, %reduce_sum3A_108 [1, 2] : vector<1x1x8736xf32> to vector<1xf32>
    %reduce_sum3A_110 = vector.shape_cast %reduce_sum3A_109 : vector<1xf32> to vector<1x1x1xf32>
    %reduce_sum3A_111 = vector.extract %reduce_sum3A_110[0, 0, 0] : f32 from vector<1x1x1xf32>
    %add3A_112 = vector.broadcast %reduce_sum3A_111 : f32 to vector<1x1xf32>
    %add3A_113 = arith.addf %get3A_103, %add3A_112 : vector<1x1xf32>
    %swap3A_114 = arith.constant 0 : index
    %swap3A_115 = arith.constant 0 : index
    %swap3A_116 = vector.load %arg7[%swap3A_114, %swap3A_115] : memref<1x1xf32, #tpu.memory_space<vmem>>, vector<1x1xf32>
    tpu.vector_store %arg7[%swap3A_114, %swap3A_115], %add3A_113 {strides = array<i32>} : memref<1x1xf32, #tpu.memory_space<vmem>>, vector<1x1xf32>,
    %get3A_117 = arith.constant 0 : index
    %get3A_118 = arith.constant 0 : index
    %get3A_119 = vector.load %arg8[%get3A_117, %get3A_118] : memref<1x1xf32, #tpu.memory_space<vmem>>, vector<1x1xf32>
    %jit3A_120 = arith.constant 0.000000e+00 : f32
    %broadcast_in_dim3A_121 = vector.broadcast %jit3A_120 : f32 to vector<1x8736xf32>
    %select_n3A_122 = arith.select %and3A, %sub3A_77, %broadcast_in_dim3A_121 : vector<1x8736xi1>, vector<1x8736xf32>
    %reduce_sum3A_123 = vector.shape_cast %select_n3A_122 : vector<1x8736xf32> to vector<1x1x8736xf32>
    %reduce_sum3A_124 = arith.constant dense<0.000000e+00> : vector<1xf32>
    %reduce_sum3A_125 = vector.multi_reduction <add>, %reduce_sum3A_123, %reduce_sum3A_124 [1, 2] : vector<1x1x8736xf32> to vector<1xf32>
    %reduce_sum3A_126 = vector.shape_cast %reduce_sum3A_125 : vector<1xf32> to vector<1x1x1xf32>
    %reduce_sum3A_127 = vector.extract %reduce_sum3A_126[0, 0, 0] : f32 from vector<1x1x1xf32>
    %add3A_128 = vector.broadcast %reduce_sum3A_127 : f32 to vector<1x1xf32>
    %add3A_129 = arith.addf %get3A_119, %add3A_128 : vector<1x1xf32>
    %swap3A_130 = arith.constant 0 : index
    %swap3A_131 = arith.constant 0 : index
    %swap3A_132 = vector.load %arg8[%swap3A_130, %swap3A_131] : memref<1x1xf32, #tpu.memory_space<vmem>>, vector<1x1xf32>
    tpu.vector_store %arg8[%swap3A_130, %swap3A_131], %add3A_129 {strides = array<i32>} : memref<1x1xf32, #tpu.memory_space<vmem>>, vector<1x1xf32>,
    %get3A_133 = arith.constant 0 : index
    %get3A_134 = arith.constant 0 : index
    %get3A_135 = vector.load %arg9[%get3A_133, %get3A_134] : memref<1x1xf32, #tpu.memory_space<vmem>>, vector<1x1xf32>
    %jit3A_136 = arith.constant 1.000000e+00 : f32
    %jit3A_137 = arith.constant 0.000000e+00 : f32
    %broadcast_in_dim3A_138 = vector.broadcast %jit3A_136 : f32 to vector<1x8736xf32>
    %broadcast_in_dim3A_139 = vector.broadcast %jit3A_137 : f32 to vector<1x8736xf32>
    %select_n3A_140 = arith.select %and3A, %broadcast_in_dim3A_138, %broadcast_in_dim3A_139 : vector<1x8736xi1>, vector<1x8736xf32>
    %reduce_sum3A_141 = vector.shape_cast %select_n3A_140 : vector<1x8736xf32> to vector<1x1x8736xf32>
    %reduce_sum3A_142 = arith.constant dense<0.000000e+00> : vector<1xf32>
    %reduce_sum3A_143 = vector.multi_reduction <add>, %reduce_sum3A_141, %reduce_sum3A_142 [1, 2] : vector<1x1x8736xf32> to vector<1xf32>
    %reduce_sum3A_144 = vector.shape_cast %reduce_sum3A_143 : vector<1xf32> to vector<1x1x1xf32>
    %reduce_sum3A_145 = vector.extract %reduce_sum3A_144[0, 0, 0] : f32 from vector<1x1x1xf32>
    %add3A_146 = vector.broadcast %reduce_sum3A_145 : f32 to vector<1x1xf32>
    %add3A_147 = arith.addf %get3A_135, %add3A_146 : vector<1x1xf32>
    %swap3A_148 = arith.constant 0 : index
    %swap3A_149 = arith.constant 0 : index
    %swap3A_150 = vector.load %arg9[%swap3A_148, %swap3A_149] : memref<1x1xf32, #tpu.memory_space<vmem>>, vector<1x1xf32>
    tpu.vector_store %arg9[%swap3A_148, %swap3A_149], %add3A_147 {strides = array<i32>} : memref<1x1xf32, #tpu.memory_space<vmem>>, vector<1x1xf32>,
    return
  }
  func.func @transform_0(%arg0: i32, %arg1: i32) -> (i32, i32, i32) {
    %mul3A = arith.constant 1 : i32
    %mul3A_0 = arith.muli %arg0, %mul3A : i32
    %add3A = arith.addi %mul3A_0, %arg1 : i32
    %c0_i32 = arith.constant 0 : i32
    %c0_i32_1 = arith.constant 0 : i32
    %c0_i32_2 = arith.constant 0 : i32
    return %add3A, %c0_i32, %c0_i32_1 : i32, i32, i32
  }
  func.func @transform_1(%arg0: i32, %arg1: i32) -> (i32, i32, i32) {
    %c0_i32 = arith.constant 0 : i32
    %c0_i32_0 = arith.constant 0 : i32
    return %arg0, %arg1, %c0_i32 : i32, i32, i32
  }
  func.func @transform_2(%arg0: i32, %arg1: i32) -> (i32, i32, i32) {
    %c0_i32 = arith.constant 0 : i32
    %c0_i32_0 = arith.constant 0 : i32
    return %arg0, %arg1, %c0_i32 : i32, i32, i32
  }
  func.func @transform_3(%arg0: i32, %arg1: i32) -> (i32, i32, i32) {
    %mul3A = arith.constant 1 : i32
    %mul3A_0 = arith.muli %arg0, %mul3A : i32
    %add3A = arith.addi %mul3A_0, %arg1 : i32
    %c0_i32 = arith.constant 0 : i32
    %c0_i32_1 = arith.constant 0 : i32
    %c0_i32_2 = arith.constant 0 : i32
    return %add3A, %c0_i32, %c0_i32_1 : i32, i32, i32
  }
  func.func @transform_4(%arg0: i32, %arg1: i32) -> (i32, i32, i32) {
    %mul3A = arith.constant 1 : i32
    %mul3A_0 = arith.muli %arg0, %mul3A : i32
    %add3A = arith.addi %mul3A_0, %arg1 : i32
    %c0_i32 = arith.constant 0 : i32
    %c0_i32_1 = arith.constant 0 : i32
    %c0_i32_2 = arith.constant 0 : i32
    return %add3A, %c0_i32, %c0_i32_1 : i32, i32, i32
  }
  func.func @transform_5(%arg0: i32, %arg1: i32) -> (i32, i32) {
    %c0_i32 = arith.constant 0 : i32
    %c0_i32_0 = arith.constant 0 : i32
    %c0_i32_1 = arith.constant 0 : i32
    return %c0_i32, %c0_i32_0 : i32, i32
  }
  func.func @transform_6(%arg0: i32, %arg1: i32) -> (i32, i32) {
    %c0_i32 = arith.constant 0 : i32
    %c0_i32_0 = arith.constant 0 : i32
    %c0_i32_1 = arith.constant 0 : i32
    return %c0_i32, %c0_i32_0 : i32, i32
  }
  func.func @transform_7(%arg0: i32, %arg1: i32) -> (i32, i32) {
    %c0_i32 = arith.constant 0 : i32
    %c0_i32_0 = arith.constant 0 : i32
    %c0_i32_1 = arith.constant 0 : i32
    return %c0_i32, %c0_i32_0 : i32, i32
  }
}

</mosaic_0001>

<sc_bundles>
// kernel: kernel.4.cloned.1.call-start
scs
__scs_entry_jumppad:
0x0: {  	(pc) =	sbr.rel $0x88, $3  }
0x1: {  	(tag) =	ssettag $0x0;
	lr =	simm.s32 $0x1  }
0x2: {  	[smem:$0x3F9E] =	sst lr;
	_ =	strace $0xD0000000  }
0x3: {  	_ = 	snop  }
0x4: {  	_ = 	snop  }
0x5: {  	_ = 	snop  }
0x6: {  	_ = 	snop  }
0x7: {  	_ = 	snop  }
__scs_overlays_trampoline_lowered:
0x8: {  	[smem:$0x3FAD] =	sst s0  }
0x9: {  	[smem:$0x3FAE] =	sst s1  }
0xa: {  	[smem:$0x3FAF] =	sst s2  }
0xb: {  	[smem:$0x3FB0] =	sst s3  }
0xc: {  	[smem:$0x3FB1] =	sst s4  }
0xd: {  	[smem:$0x3FB2] =	sst s5  }
0xe: {  	[smem:$0x3FB3] =	sst s6  }
0xf: {  	[smem:$0x3FB4] =	sst s7  }
0x10: {  	[smem:$0x3FB5] =	sst s8  }
0x11: {  	[smem:$0x3FB6] =	sst s9;
	s0 =	simm.s32 @!p0 $0x0  }
0x12: {  	s1 =	sld [smem:$0x3F9C];
	s0 =	simm.s32 @p0 $0x1  }
0x13: {  	[smem:$0x3FB7] =	sst s0;
	s0 =	simm.s32 @!p1 $0x0  }
0x14: {  	s2 =	sld [smem:$0x3F9B];
	s0 =	simm.s32 @p1 $0x1  }
0x15: {  	[smem:$0x3FB8] =	sst s0;
	s0 =	simm.s32 @!p2 $0x0  }
0x16: {  	s3 =	sld [smem:$0x3FDB];
	s0 =	simm.s32 @p2 $0x1  }
0x17: {  	s4 =	simm.s32 $0x1BF5;
	[smem:$0x3FBA] =	sst s0  }
0x18: {  	s0 =	sld [smem:$0x3F9D];
	_ =	swait.ge [sflag:s4], $0x0  }
0x19: {  	s7 =	sld [smem:$0x3F9E]  }
0x1a: {  	s8 =	sadd.s32 $0xFFFFE003, lr  }
0x1b: {  	s9 =	sadd.s32 $0xFFFFFEF7, lr;
	s5 =	simm.s32 $0xFFFFFFFF;
	p2 =	slt.u32 s8, $0xFFFFF086  }
0x1c: {  	p1 =	slt.u32 s9, $0xF7A;
	s5 =	simm.s32 @!p2 $0x0  }
0x1d: {  	s5 =	simm.s32 @p1 $0x1;
	p0 =	seq.s32 s7, s2  }
0x1e: {  	s7 =	smul.u32 @!p0 $0xF7A, s2;
	p2 =	seq.s32 @!p0 s5, $0x0  }
0x1f: {  	s9 =	smul.u32 $0xF7A, s1;
	s8 =	simm.s32 @!p0 $0x1BF5;
	p2 =	por !p2, p0  }
0x20: {  	[sflag:s8] =	ssyncset.s32 @!p0 $0xFFFFF086;
	s6 =	sadd.s32 @!p0 s3, s7;
	s7 =	simm.s32 @!p0 $0x108  }
0x21: {  	s3 =	sadd.s32 s3, s9;
	s6 =	sadd.s32 @!p0 $0x88, s6;
	s7 =	simm.s32 @p2 $0x1082  }
0x22: {  	[simem:s7], [sflag:s8] =	dma.local @!p0 [hbm:s6], $0xF7A  }
0x23: {  	s9 =	sor.u32 $0xD0000000, s2;
	s6 =	simm.s32 $0x108;
	_ =	swait.ge @!p0 [sflag:s8], $0x0  }
0x24: {  	s3 =	sadd.s32 $0x88, s3;
	s6 =	simm.s32 @!p1 $0x1082;
	[sflag:s4] =	ssyncset.s32 $0xFFFFF086  }
0x25: {  	[simem:s6], [sflag:s4] =	dma.local [hbm:s3], $0xF7A  }
0x26: {  	[smem:$0x3F9E] =	sst s1;
	(tag) =	ssettag s2;
	_ =	strace s9  }
0x27: {  	s1 =	sld [smem:$0x3FAE]  }
0x28: {  	s2 =	sld [smem:$0x3FAF]  }
0x29: {  	s4 =	sld [smem:$0x3FB1]  }
0x2a: {  	p0 =	seq.s32 s5, $0x0;
	s5 =	sld [smem:$0x3FB2]  }
0x2b: {  	s6 =	sld [smem:$0x3FB3]  }
0x2c: {  	s7 =	sld [smem:$0x3FB4]  }
0x2d: {  	s3 =	simm.s32 $0x108;
	s8 =	sld [smem:$0x3FB5]  }
0x2e: {  	s3 =	simm.s32 @!p0 $0x1082;
	s9 =	sld [smem:$0x3FB6]  }
0x2f: {  	lr =	sadd.s32 s0, s3;
	s0 =	sld [smem:$0x3FAD]  }
0x30: {  	s3 =	sld [smem:$0x3FB0]  }
0x31: {  	[smem:$0x3FB9] =	sst s10  }
0x32: {  	s10 =	sld [smem:$0x3FB7];
	_ =	sdelay $0x3  }
0x33: {  	p0 =	seq.s32 s10, $0x1;
	s10 =	sld [smem:$0x3FB9];
	_ =	sdelay $0x3  }
0x34: {  	[smem:$0x3FB9] =	sst s10  }
0x35: {  	s10 =	sld [smem:$0x3FB8];
	_ =	sdelay $0x3  }
0x36: {  	p1 =	seq.s32 s10, $0x1;
	s10 =	sld [smem:$0x3FB9];
	_ =	sdelay $0x3  }
0x37: {  	[smem:$0x3FB9] =	sst s10  }
0x38: {  	s10 =	sld [smem:$0x3FBA]  }
0x39: {  	_ = 	snop;
	(pc) =	sbr.ind lr, $3  }
0x3a: {  	_ = 	snop  }
0x3b: {  	_ = 	snop  }
0x3c: {  	p2 =	seq.s32 s10, $0x1;
	s10 =	sld [smem:$0x3FB9]  }
0x3d: {  	_ =	shalt  }
0x3e: {  	_ =	shalt  }
0x3f: {  	_ =	shalt  }
0x40: {  	_ =	shalt  }
0x41: {  	_ =	shalt  }
0x42: {  	_ =	shalt  }
0x43: {  	_ =	shalt  }
0x44: {  	_ =	shalt  }
0x45: {  	_ =	shalt  }
0x46: {  	_ =	shalt  }
0x47: {  	_ =	shalt  }
0x48: {  	_ =	shalt  }
0x49: {  	_ =	shalt  }
0x4a: {  	_ =	shalt  }
0x4b: {  	_ =	shalt  }
0x4c: {  	_ =	shalt  }
0x4d: {  	_ =	shalt  }
0x4e: {  	_ =	shalt  }
0x4f: {  	_ =	shalt  }
0x50: {  	_ =	shalt  }
0x51: {  	_ =	shalt  }
0x52: {  	_ =	shalt  }
0x53: {  	_ =	shalt  }
0x54: {  	_ =	shalt  }
0x55: {  	_ =	shalt  }
0x56: {  	_ =	shalt  }
0x57: {  	_ =	shalt  }
0x58: {  	_ =	shalt  }
0x59: {  	_ =	shalt  }
0x5a: {  	_ =	shalt  }
0x5b: {  	_ =	shalt  }
0x5c: {  	_ =	shalt  }
0x5d: {  	_ =	shalt  }
0x5e: {  	_ =	shalt  }
0x5f: {  	_ =	shalt  }
0x60: {  	_ =	shalt  }
0x61: {  	_ =	shalt  }
0x62: {  	_ =	shalt  }
0x63: {  	_ =	shalt  }
0x64: {  	_ =	shalt  }
0x65: {  	_ =	shalt  }
0x66: {  	_ =	shalt  }
0x67: {  	_ =	shalt  }
0x68: {  	_ =	shalt  }
0x69: {  	_ =	shalt  }
0x6a: {  	_ =	shalt  }
0x6b: {  	_ =	shalt  }
0x6c: {  	_ =	shalt  }
0x6d: {  	_ =	shalt  }
0x6e: {  	_ =	shalt  }
0x6f: {  	_ =	shalt  }
0x70: {  	_ =	shalt  }
0x71: {  	_ =	shalt  }
0x72: {  	_ =	shalt  }
0x73: {  	_ =	shalt  }
0x74: {  	_ =	shalt  }
0x75: {  	_ =	shalt  }
0x76: {  	_ =	shalt  }
0x77: {  	_ =	shalt  }
0x78: {  	_ =	shalt  }
0x79: {  	_ =	shalt  }
0x7a: {  	_ =	shalt  }
0x7b: {  	_ =	shalt  }
0x7c: {  	_ =	shalt  }
0x7d: {  	_ =	shalt  }
0x7e: {  	_ =	shalt  }
0x7f: {  	_ =	shalt  }
0x80: {  	_ =	shalt  }
0x81: {  	_ =	shalt  }
0x82: {  	_ =	shalt  }
0x83: {  	_ =	shalt  }
0x84: {  	_ =	shalt  }
0x85: {  	_ =	shalt  }
0x86: {  	_ =	shalt  }
0x87: {  	_ =	shalt  }
.Lfunc_end0:
.L_simem_size_0:
called_computation_lowered:
.L_overlay_start_0:
0x88: {  	s2 =	sld [smem:$0x3FD9]  }
0x89: {  	s3 =	sld [smem:$0x3FFE];
	_ =	sdelay $0x1  }
0x8a: {  	s1 =	srdreg.scid  }
0x8b: {  	s0 =	sand.u32 $0x1, s1  }
0x8c: {  	s16 =	sshll.u32 s0, $0xA;
	s2 =	sadd.s32 s3, s2  }
0x8d: {  	s2 =	sadd.s32 s2, s16  }
0x8e: {  	[smem:$0x3FC5] =	sst s2  }
0x8f: {  	_ = 	snop  }
0x90: {  	(tm) =	ssettm $0x1  }
0x91: {  	s17 =	sld [smem:$0x3FFB];
	_ =	sdelay $0x3  }
0x92: {  	_ =	strace s17  }
0x93: {  	s2 =	sld [smem:$0x3FFC];
	_ =	sdelay $0x3  }
0x94: {  	_ =	strace s2  }
0x95: {  	s2 =	sld [smem:$0x3FFD];
	_ =	sdelay $0x3  }
0x96: {  	_ =	strace s2  }
0x97: {  	_ =	strace $0x8FFFFFFF  }
0x98: {  	s18 =	sld [smem:$0x3FDB];
	_ =	sdelay $0x1  }
0x99: {  	s19 =	simm.s32 $_scs_section_size  }
0x9a: {  	s4 =	simm.s32 $_size__tile_overlayer_lowered;
	s5 =	simm.s32 $_tile_overlayer_lowered  }
0x9b: {  	s22 =	simm.s32 $0x1BFF;
	s21 =	sshll.u32 s5, $0x1;
	s2 =	sadd.s32 s19, s18  }
0x9c: {  	s6 =	simm.s32 $0x0;
	s20 =	sshll.u32 s4, $0x1;
	s4 =	sadd.s32 s21, s2  }
0x9d: {  	[timem:s6], [sflag:s22] =	dma.local [hbm:s4], s20  }
0x9e: {  	_ =	swait.ge [sflag:s22], s20  }
0x9f: {  	s3 =	ssub.s32 $0x0, s20;
	[sflag:s22] =	ssyncset.done $0x0  }
0xa0: {  	[sflag:s22] =	ssyncadd.s32 s3;
	_ =	sdelay $0x1  }
0xa1: {  	s23 =	simm.s32 $0x1B8B  }
0xa2: {  	_ =	swait.ge [sflag:s23], $0x1  }
0xa3: {  	[sflag:s23] =	ssyncset.done $0x0  }
0xa4: {  	s25 =	simm.s32 $0x1B8E;
	s24 =	sld [smem:$0x3FFE];
	[sflag:s23] =	ssyncadd.s32 $0xFFFFFFFF  }
0xa5: {  	s26 =	simm.s32 $execute0_lowered;
	[smem:$0x3FD2] =	sst s25  }
0xa6: {  	s4 =	sshll.u32 s26, $0x1;
	_ =	strace $0x80000046;
	[dreg:$0x1] =	wrdreg $0xFFFFFFFF  }
0xa7: {  	s28 =	simm.s32 $_size_execute0_lowered;
	s2 =	sadd.s32 s2, s4;
	[dreg:$0x0] =	wrdreg $0x0  }
0xa8: {  	s4 =	sshll.u32 s28, $0x1;
	[dreg:$0x2] =	wrdreg s2  }
0xa9: {  	[dreg:$0x3] =	wrdreg s4  }
0xaa: {  	[dreg:$0x4] =	wrdreg $0xC0  }
0xab: {  	_ =	task [dreg:s6], $0x5FFFF  }
0xac: {  	[dreg:$0x1] =	wrdreg $0xFFFFFFFF  }
0xad: {  	[dreg:$0x0] =	wrdreg $0x60  }
0xae: {  	[dreg:$0x2] =	wrdreg s24  }
0xaf: {  	[dreg:$0x3] =	wrdreg $0x9  }
0xb0: {  	_ =	task.clear_ibuf [dreg:s6], $0x4FFFF;
	_ =	strace $0x90000046  }
0xb1: {  	s29 =	simm.s32 $0x9;
	_ =	strace $0x80000048  }
0xb2: {  	_ =	swait.ge [sflag:s29], $0x1  }
0xb3: {  	[sflag:s29] =	ssyncadd.s32 $0xFFFFFFFF  }
0xb4: {  	_ =	strace $0x90000048  }
0xb5: {  	_ =	sfence  }
0xb6: {  	s30 =	sld [smem:$0x0];
	_ =	sdelay $0x2  }
0xb7: {  	s31 =	sshll.u32 s1, $0xD;
	s1 =	sshrl.u32 s1, $0x2  }
0xb8: {  	s3 =	sand.u32 $0x4000, s31;
	s1 =	sadd.s32 s1, s30  }
0xb9: {  	s0 =	sor.u32 s3, s0;
	s1 =	sshll.u32 s1, $0x11  }
0xba: {  	s0 =	sor.u32 s1, s0  }
0xbb: {  	s0 =	sadd.s32 $0x8F2B, s0  }
0xbc: {  	[sflag:s0] =	ssyncadd.remote.s32 $0x1  }
0xbd: {  	_ =	sfence.sel $0xFFFF  }
0xbe: {  	[dreg:$0x0] =	wrdreg $0xFFFFFFFF;
	(pc) =	sbr.abs _section_cstart, $3  }
0xbf: {  	[dreg:$0x1] =	wrdreg $0xFFFFFFFF  }
0xc0: {  	_ =	task.clear_ibuf [dreg:s6], $0x2FFFF;
	_ =	strace $0x9FFFFFFF  }
0xc1: {  	(tm) =	ssettm $0x7FFFFFFF  }
tec
execute0_lowered:
.L_overlay_start_1:
0x0: {  	(tag) =	ssettag $0x1  }
0x1: {  	s3 =	rddreg [dreg:$0x0]  }
0x2: {  	s0 =	rddreg [dreg:$0x1]  }
0x3: {  	s2 =	simm.s32 $0x0;
	s4 =	srdreg.scid;
	s1 =	stileid.u32  }
0x4: {  	s9 =	simm.s32 $0x1;
	s10 =	simm.s32 $0x2280;
	s11 =	simm.s32 $0x4500  }
0x5: {  	s12 =	simm.s32 $0x5500;
	s13 =	simm.s32 $0x0;
	s4 =	sand.u32 $0x1, s4  }
0x6: {  	s5 =	sshrl.u32 s1, $0x2;
	s6 =	sshll.u32 s1, $0x8;
	[smem:$0x7FF] =	sst s2  }
0x7: {  	s7 =	sshll.u32 s4, $0x7;
	s6 =	sand.u32 $0x300, s6;
	s8 =	smul.u32 $0x11400, s5  }
0x8: {  	s5 =	sshll.u32 s5, $0xA;
	s4 =	ssub.s32 $0x2, s4;
	s6 =	sor.u32 s7, s6  }
0x9: {  	_ =	strace $0x80000047;
	s30 =	sshrl.u32 s4, $0x1;
	s7 =	sor.u32 s8, s6  }
0xa: {  	s5 =	sor.u32 s5, s6;
	s31 =	ssub.s32 s4, s30;
	s29 =	sshrl.u32 s7, $0x3  }
0xb: {  	s8 =	simm.s32 $0x400;
	s5 =	sshrl.u32 s5, $0x3;
	s6 =	sadd.s32 s29, s3  }
0xc: {  	v3 =	vlaneseq.u32;
	v1 =	vimm.s32 $0x1;
	v2 =	vimm.s32 $0xF;
	s7 =	simm.s32 $0x80;
	s5 =	sadd.s32 s5, s3;
	s3 =	sadd.s32 $0x200, s6  }
0xd: {  	v4 =	vimm.s32 $0x0;
	v0 =	vmul.u32 $0x100, v3;
	v3 =	vmul.u32 $0x4000, v3;
	s4 =	sadd.s32 $0x8C00, s6;
	s5 =	sadd.s32 $0x11600, s5;
	s6 =	smax.u32 s31, $0x1  }
.LBB2_1:
0xe: {  	[tilespmem:s2], [sflag:$0x1] =	stream.strided.gather [hbm4b:s3+s7], $0x2280, s8, s7, $0x38;
	[tilespmem:$0x5580] =	vst v63  }
0xf: {  	_ =	swait.ge [sflag:s9], $0x2280  }
0x10: {  	[sflag:s9] =	ssyncset.done $0x0  }
0x11: {  	[sflag:s9] =	ssyncadd.s32 $0xFFFFDD80  }
0x12: {  	[tilespmem:s10], [sflag:$0x1] =	stream.strided.gather [hbm4b:s4+s7], $0x2280, s8, s7, $0x38;
	[tilespmem:$0x5580] =	vst v63  }
0x13: {  	_ =	swait.ge [sflag:s9], $0x2280  }
0x14: {  	[sflag:s9] =	ssyncset.done $0x0  }
0x15: {  	s14 =	simm.s32 $0x0;
	[sflag:s9] =	ssyncadd.s32 $0xFFFFDD80  }
.LBB2_2:
0x16: {  	p0 =	sne.s32 s14, $0x3FC0  }
.Ltmp0:
0x17: {  	_ = 	snop;
	(pc) =	sbr.rel @p0 .LBB2_2-.Ltmp0, $3  }
0x18: {  	_ =	sdelay $0x1  }
0x19: {  	s15 =	sshra.s32 s14, $0x2;
	v5 =	vimm.s32 $0x0  }
0x1a: {  	s14 =	sadd.s32 $0x40, s14;
	[tilespmem:s15+$0x4500] =	vst v5  }
0x1b: {  	s15 =	simm.s32 $0x0;
	s14 =	simm.s32 $0x40  }
.LBB2_4:
0x1c: {  	p0 =	sne.s32 s14, $0x8840;
	v6 =	vld [tilespmem:s15+$0x0];
	_ =	sdelay $0x4  }
0x1d: {  	v7 =	vshrl.u32 v6, $0x17;
	vm0 =	veq.s32 v6, $0x80000000  }
0x1e: {  	vm1 =	vgt.s32 v6, $0xFFFFFFFF;
	v6 =	vand.u32 $0xFF, v7;
	v7 =	vmpcnt.ones.xlane vm0  }
0x1f: {  	v6 =	vor.u32 v0, v6  }
.Ltmp1:
0x20: {  	v5 =	vadd.s32 v5, v7;
	(pc) =	sbr.rel @p0 .LBB2_4-.Ltmp1, $2  }
0x21: {  	_ =	sdelay $0x2  }
0x22: {  	s15 =	sshra.s32 s14, $0x2;
	s14 =	sadd.s32 $0x40, s14;
	[tilespmem:v6+s11+$0x0] =	vst.idx.add.s32.msk vm1, v1  }
0x23: {  	v6 =	vld [tilespmem:s15+$0x0];
	_ =	sdelay $0x4  }
0x24: {  	v7 =	vshrl.u32 v6, $0x17  }
0x25: {  	vm0 =	vgt.s32 v6, $0xFFFFFFFF;
	v7 =	vand.u32 $0xFF, v7  }
0x26: {  	v7 =	vor.u32 v0, v7;
	_ =	sdelay $0x4  }
0x27: {  	s14 =	simm.s32 $0x4DF0;
	[tilespmem:v7+s11+$0x0] =	vst.idx.add.s32.msk vm0, v1  }
0x28: {  	v7 =	vld [tilespmem:s14+$0xFFFFF800]  }
0x29: {  	v8 =	vld [tilespmem:s14+$0xFFFFF900]  }
0x2a: {  	v9 =	vld [tilespmem:s14+$0xFFFFFA00]  }
0x2b: {  	v10 =	vld [tilespmem:s14+$0xFFFFFB00]  }
0x2c: {  	v11 =	vld [tilespmem:s14+$0xFFFFFC00]  }
0x2d: {  	v12 =	vld [tilespmem:s14+$0xFFFFFD00]  }
0x2e: {  	v7 =	vadd.s32 v7, v8;
	v8 =	vld [tilespmem:s14+$0xFFFFFE00]  }
0x2f: {  	v7 =	vadd.s32 v9, v7;
	v9 =	vld [tilespmem:s14+$0xFFFFFF00]  }
0x30: {  	v7 =	vadd.s32 v10, v7;
	v10 =	vld [tilespmem:s14+$0x0]  }
0x31: {  	v7 =	vadd.s32 v11, v7;
	v11 =	vld [tilespmem:s14+$0x100]  }
0x32: {  	v7 =	vadd.s32 v12, v7;
	v12 =	vld [tilespmem:s14+$0x200]  }
0x33: {  	v7 =	vadd.s32 v8, v7;
	v8 =	vld [tilespmem:s14+$0x300]  }
0x34: {  	v7 =	vadd.s32 v9, v7;
	v9 =	vld [tilespmem:s14+$0x400]  }
0x35: {  	v7 =	vadd.s32 v10, v7;
	v10 =	vld [tilespmem:s14+$0x500]  }
0x36: {  	v7 =	vadd.s32 v11, v7;
	v11 =	vld [tilespmem:s14+$0x600]  }
0x37: {  	s30 =	simm.s32 $0x4DE0;
	v13 =	vld [tilespmem:s14+$0x700];
	v7 =	vadd.s32 v12, v7  }
0x38: {  	v12 =	vld [tilespmem:s30+$0xFFFFF800];
	v7 =	vadd.s32 v8, v7  }
0x39: {  	v8 =	vld [tilespmem:s30+$0xFFFFF900];
	v7 =	vadd.s32 v9, v7  }
0x3a: {  	v9 =	vld [tilespmem:s30+$0xFFFFFA00];
	v7 =	vadd.s32 v10, v7  }
0x3b: {  	v10 =	vld [tilespmem:s30+$0xFFFFFB00];
	v7 =	vadd.s32 v11, v7  }
0x3c: {  	v11 =	vld [tilespmem:s30+$0xFFFFFC00];
	v13 =	vadd.s32 v13, v7  }
0x3d: {  	v7 =	vld [tilespmem:s30+$0xFFFFFD00];
	(xrf0) =	vadd.scan.msk.s32 $0xffff, v13  }
0x3e: {  	vm0 =	veq.s32 v6, $0x80000000;
	v6 =	vadd.s32 v12, v8;
	v8 =	vld [tilespmem:s30+$0xFFFFFE00]  }
0x3f: {  	v12 =	vmpcnt.ones.xlane vm0;
	v6 =	vadd.s32 v9, v6;
	v9 =	vld [tilespmem:s30+$0xFFFFFF00]  }
0x40: {  	v6 =	vadd.s32 v10, v6;
	v10 =	vld [tilespmem:s30+$0x0]  }
0x41: {  	v5 =	vadd.s32 v5, v12;
	v6 =	vadd.s32 v11, v6;
	v11 =	vld [tilespmem:s30+$0x100]  }
0x42: {  	v14 =	vld [tilespmem:s30+$0x200];
	v12 =	vmul.u32 $0x3, v5;
	v6 =	vadd.s32 v7, v6  }
0x43: {  	v5 =	vsub.s32 $0x221C, v5;
	v6 =	vadd.s32 v8, v6;
	v8 =	vld [tilespmem:s30+$0x300];
	v15, _, _ =	vpop (xrf0)  }
0x44: {  	v17 =	vld [tilespmem:s30+$0x400];
	vm0 =	vlt.s32 v5, v12;
	v6 =	vadd.s32 v9, v6;
	v7 =	vperm.xlane v15, v2  }
0x45: {  	s31 =	simm.s32 $0xF0;
	v5 =	vsel vm0, v5, v12;
	v12 =	vimm.s32 $0x0;
	v9 =	vld [tilespmem:s30+$0x700];
	v10 =	vadd.s32 v10, v6  }
0x46: {  	v16 =	vmov s31;
	v10 =	vadd.s32 v11, v10;
	v11 =	vld [tilespmem:s30+$0x500];
	v7 =	vadd.s32 v12, v7  }
0x47: {  	s16 =	simm.s32 $0x4DD0;
	v6 =	vimm.s32 $0xFFFFFFFF;
	v14 =	vadd.s32 v14, v10;
	v10 =	vld [tilespmem:s30+$0x600];
	v15 =	vsub.s32 v7, v15  }
0x48: {  	v12 =	vld [tilespmem:s16+$0xFFFFF800];
	v8 =	vadd.s32 v8, v14;
	v14 =	vshll.u32 v16, $0xE;
	v18 =	vadd.s32 v13, v15  }
0x49: {  	v16 =	vld [tilespmem:s16+$0xFFFFF900];
	v15 =	vadd.s32 v17, v8;
	v8 =	vor.u32 v3, v14;
	vm0 =	vlt.s32 v18, v5  }
0x4a: {  	s15 =	simm.s32 $0xE0;
	s17 =	simm.s32 $0xC0;
	s14 =	simm.s32 $0xD0;
	v17 =	vld [tilespmem:s16+$0xFFFFFA00];
	v13 =	vor.u32 v8, v13;
	v14 =	vor.u32 v8, v18;
	v8 =	vimm.s32 $0xFFFFFFFF  }
.LBB2_6:
0x4b: {  	p0 =	sne.s32 s17, $0x0;
	v18 =	vld [tilespmem:s16+$0xFFFFFB00];
	v11 =	vadd.s32 v11, v15;
	v13 =	vsel vm0, $0xFFFFFFFF, v13;
	v14 =	vsel vm0, $0xFFFFFFFF, v14  }
0x4c: {  	v15 =	vld [tilespmem:s16+$0xFFFFFC00];
	v10 =	vadd.s32 v10, v11;
	vm0 =	vgt.s32 v6, v13;
	vm1 =	vgt.s32 v8, v14  }
0x4d: {  	v11 =	vld [tilespmem:s16+$0xFFFFFD00];
	v19 =	vadd.s32 v9, v10;
	v6 =	vsel vm0, v6, v13;
	v8 =	vsel vm1, v8, v14  }
0x4e: {  	v9 =	vadd.s32 v12, v16;
	v10 =	vld [tilespmem:s16+$0xFFFFFE00];
	(xrf0) =	vadd.scan.msk.s32 $0xffff, v19  }
0x4f: {  	v9 =	vadd.s32 v17, v9;
	v12 =	vld [tilespmem:s16+$0xFFFFFF00]  }
0x50: {  	v9 =	vadd.s32 v18, v9;
	v13 =	vld [tilespmem:s16+$0x0]  }
0x51: {  	v9 =	vadd.s32 v15, v9;
	v14 =	vld [tilespmem:s16+$0x100]  }
0x52: {  	v9 =	vadd.s32 v11, v9;
	v15 =	vld [tilespmem:s16+$0x200]  }
0x53: {  	v9 =	vadd.s32 v10, v9;
	v16 =	vld [tilespmem:s16+$0x300]  }
0x54: {  	v9 =	vadd.s32 v12, v9;
	v17 =	vld [tilespmem:s16+$0x400];
	v18, _, _ =	vpop (xrf0)  }
0x55: {  	v10 =	vadd.s32 v13, v9;
	v9 =	vld [tilespmem:s16+$0x700];
	v12 =	vperm.xlane v18, v2  }
.Ltmp2:
0x56: {  	v10 =	vadd.s32 v14, v10;
	v11 =	vld [tilespmem:s16+$0x500];
	(pc) =	sbr.rel @p0 .LBB2_6-.Ltmp2, $4  }
0x57: {  	v14 =	vmov s15;
	s15 =	smov.u32 s14;
	s14 =	smov.u32 s17;
	v13 =	vadd.s32 v15, v10;
	v10 =	vld [tilespmem:s16+$0x600];
	s16 =	sadd.s32 $0xFFFFFFF0, s16;
	v7 =	vadd.s32 v7, v12  }
0x58: {  	v14 =	vshll.u32 v14, $0xE;
	v12 =	vld [tilespmem:s16+$0xFFFFF800];
	v13 =	vadd.s32 v16, v13;
	v18 =	vsub.s32 v7, v18  }
0x59: {  	v14 =	vor.u32 v3, v14;
	v16 =	vld [tilespmem:s16+$0xFFFFF900];
	v15 =	vadd.s32 v17, v13;
	v18 =	vadd.s32 v19, v18  }
0x5a: {  	s17 =	sadd.s32 $0xFFFFFFF0, s17;
	v13 =	vor.u32 v14, v19;
	v17 =	vld [tilespmem:s16+$0xFFFFFA00];
	vm0 =	vlt.s32 v18, v5;
	v14 =	vor.u32 v14, v18  }
0x5b: {  	v18 =	vld [tilespmem:s16+$0xFFFFFB00]  }
0x5c: {  	v19 =	vld [tilespmem:s16+$0xFFFFFC00]  }
0x5d: {  	v20 =	vld [tilespmem:s16+$0xFFFFFD00]  }
0x5e: {  	v47 =	vld [tilespmem:s16+$0xFFFFFE00];
	v12 =	vadd.s32 v12, v16  }
0x5f: {  	v48 =	vld [tilespmem:s16+$0xFFFFFF00];
	v12 =	vadd.s32 v17, v12  }
0x60: {  	v49 =	vld [tilespmem:s16+$0x0];
	v12 =	vadd.s32 v18, v12  }
0x61: {  	v50 =	vld [tilespmem:s16+$0x100];
	v12 =	vadd.s32 v19, v12  }
0x62: {  	v51 =	vld [tilespmem:s16+$0x200];
	v12 =	vadd.s32 v20, v12  }
0x63: {  	v52 =	vld [tilespmem:s16+$0x300];
	v12 =	vadd.s32 v47, v12  }
0x64: {  	v53 =	vld [tilespmem:s16+$0x400];
	v12 =	vadd.s32 v48, v12  }
0x65: {  	v54 =	vld [tilespmem:s16+$0x500];
	v12 =	vadd.s32 v49, v12  }
0x66: {  	v11 =	vadd.s32 v11, v15;
	v55 =	vld [tilespmem:s16+$0x600];
	v12 =	vadd.s32 v50, v12  }
0x67: {  	v56 =	vld [tilespmem:s16+$0x700];
	v10 =	vadd.s32 v10, v11;
	v11 =	vadd.s32 v51, v12  }
0x68: {  	v9 =	vadd.s32 v9, v10;
	v10 =	vadd.s32 v52, v11  }
0x69: {  	(xrf0) =	vadd.scan.msk.s32 $0xffff, v9;
	v10 =	vadd.s32 v53, v10  }
0x6a: {  	v10 =	vadd.s32 v54, v10  }
0x6b: {  	v10 =	vadd.s32 v55, v10  }
0x6c: {  	v10 =	vadd.s32 v56, v10  }
0x6d: {  	(xrf0) =	vadd.scan.msk.s32 $0xffff, v10;
	_ =	sdelay $0x1  }
0x6e: {  	v11, _, _ =	vpop (xrf0)  }
0x6f: {  	v57 =	vsel vm0, $0xFFFFFFFF, v13;
	v59 =	vperm.xlane v11, v2  }
0x70: {  	v58 =	vsel vm0, $0xFFFFFFFF, v14;
	v60 =	vmov s15;
	v63 =	vmov s14  }
0x71: {  	vm11 =	vgt.s32 v6, v57;
	vm1 =	vgt.s32 v8, v58;
	v7 =	vadd.s32 v7, v59  }
0x72: {  	v6 =	vsel vm11, v6, v57;
	v12 =	vshll.u32 v60, $0xE;
	v11 =	vsub.s32 v7, v11;
	v61, _, _ =	vpop (xrf0)  }
0x73: {  	v12 =	vor.u32 v3, v12;
	v11 =	vadd.s32 v9, v11;
	v62 =	vperm.xlane v61, v2  }
0x74: {  	v8 =	vsel vm1, v8, v58;
	v9 =	vor.u32 v12, v9;
	vm12 =	vlt.s32 v11, v5  }
0x75: {  	v11 =	vor.u32 v12, v11;
	v12 =	vshll.u32 v63, $0xE;
	v7 =	vadd.s32 v7, v62  }
0x76: {  	v9 =	vsel vm12, $0xFFFFFFFF, v9;
	v11 =	vsel vm12, $0xFFFFFFFF, v11;
	v7 =	vsub.s32 v7, v61  }
0x77: {  	v12 =	vor.u32 v3, v12;
	vm13 =	vgt.s32 v6, v9;
	v7 =	vadd.s32 v10, v7  }
0x78: {  	v6 =	vsel vm13, v6, v9;
	v9 =	vor.u32 v12, v10;
	vm14 =	vlt.s32 v7, v5  }
0x79: {  	vm1 =	vgt.s32 v8, v11;
	v7 =	vor.u32 v12, v7;
	v9 =	vsel vm14, $0xFFFFFFFF, v9  }
0x7a: {  	v8 =	vsel vm1, v8, v11;
	v7 =	vsel vm14, $0xFFFFFFFF, v7;
	vm15 =	vgt.s32 v6, v9  }
0x7b: {  	vm1 =	vgt.s32 v8, v7;
	v6 =	vsel vm15, v6, v9  }
0x7c: {  	v7 =	vsel vm1, v8, v7;
	v6 =	vxor.u32 $0x80000000, v6  }
0x7d: {  	(xrf0) =	vmax.scan.msk.u32 $0xffff, v6;
	v6 =	vxor.u32 $0x80000000, v7  }
0x7e: {  	(xrf0) =	vmax.scan.msk.u32 $0xffff, v6;
	_ =	sdelay $0x4  }
0x7f: {  	v6, _, _ =	vpop (xrf0)  }
0x80: {  	v7, _, _ =	vpop (xrf0)  }
0x81: {  	v6 =	vxor.u32 $0x80000000, v6;
	v8 =	vxor.u32 $0x80000000, v7  }
0x82: {  	s14 =	simm.s32 $0x40;
	s15 =	simm.s32 $0x0;
	v7 =	vperm.xlane v6, v2;
	v8 =	vperm.xlane v8, v2  }
.LBB2_8:
0x83: {  	p0 =	sne.s32 s14, $0x3FC0;
	[tilespmem:s15+$0x4500] =	vst v4;
	s15 =	smov.u32 s14;
	s14 =	sadd.s32 $0x40, s14  }
.Ltmp3:
0x84: {  	(pc) =	sbr.rel @p0 .LBB2_8-.Ltmp3, $2  }
0x85: {  	_ =	sdelay $0x2  }
0x86: {  	s15 =	sshra.s32 s15, $0x2  }
0x87: {  	[tilespmem:s15+$0x4500] =	vst v4;
	v6 =	vshll.u32 v7, $0x9;
	s15 =	simm.s32 $0x0;
	s14 =	simm.s32 $0x40  }
.LBB2_10:
0x88: {  	p0 =	sne.s32 s14, $0x8840;
	v9 =	vld [tilespmem:s15+$0x0];
	_ =	sdelay $0x4  }
0x89: {  	v10 =	vxor.u32 v6, v9;
	v9 =	vshrl.u32 v9, $0xF  }
0x8a: {  	vm0 =	vlt.u32 v10, $0x800000;
	v9 =	vand.u32 $0xFF, v9  }
0x8b: {  	v9 =	vor.u32 v0, v9  }
.Ltmp4:
0x8c: {  	(pc) =	sbr.rel @p0 .LBB2_10-.Ltmp4, $2  }
0x8d: {  	_ =	sdelay $0x2  }
0x8e: {  	s15 =	sshra.s32 s14, $0x2;
	s14 =	sadd.s32 $0x40, s14;
	[tilespmem:v9+s11+$0x0] =	vst.idx.add.s32.msk vm0, v1  }
0x8f: {  	v9 =	vld [tilespmem:s15+$0x0];
	_ =	sdelay $0x4  }
0x90: {  	v10 =	vxor.u32 v6, v9;
	v9 =	vshrl.u32 v9, $0xF  }
0x91: {  	vm0 =	vlt.u32 v10, $0x800000;
	v9 =	vand.u32 $0xFF, v9  }
0x92: {  	v9 =	vor.u32 v0, v9;
	_ =	sdelay $0x4  }
0x93: {  	s14 =	simm.s32 $0x4DF0;
	[tilespmem:v9+s11+$0x0] =	vst.idx.add.s32.msk vm0, v1  }
0x94: {  	v9 =	vld [tilespmem:s14+$0xFFFFF800]  }
0x95: {  	v10 =	vld [tilespmem:s14+$0xFFFFF900]  }
0x96: {  	v11 =	vld [tilespmem:s14+$0xFFFFFA00]  }
0x97: {  	v12 =	vld [tilespmem:s14+$0xFFFFFB00]  }
0x98: {  	v13 =	vld [tilespmem:s14+$0xFFFFFC00]  }
0x99: {  	v14 =	vld [tilespmem:s14+$0xFFFFFD00]  }
0x9a: {  	v9 =	vadd.s32 v9, v10;
	v10 =	vld [tilespmem:s14+$0xFFFFFE00]  }
0x9b: {  	v9 =	vadd.s32 v11, v9;
	v11 =	vld [tilespmem:s14+$0xFFFFFF00]  }
0x9c: {  	v9 =	vadd.s32 v12, v9;
	v12 =	vld [tilespmem:s14+$0x0]  }
0x9d: {  	v9 =	vadd.s32 v13, v9;
	v13 =	vld [tilespmem:s14+$0x100]  }
0x9e: {  	v9 =	vadd.s32 v14, v9;
	v14 =	vld [tilespmem:s14+$0x200]  }
0x9f: {  	v9 =	vadd.s32 v10, v9;
	v10 =	vld [tilespmem:s14+$0x300]  }
0xa0: {  	v9 =	vadd.s32 v11, v9;
	v11 =	vld [tilespmem:s14+$0x400]  }
0xa1: {  	v9 =	vadd.s32 v12, v9;
	v12 =	vld [tilespmem:s14+$0x500]  }
0xa2: {  	v9 =	vadd.s32 v13, v9;
	v13 =	vld [tilespmem:s14+$0x600]  }
0xa3: {  	s30 =	simm.s32 $0x4DE0;
	v15 =	vld [tilespmem:s14+$0x700];
	v9 =	vadd.s32 v14, v9  }
0xa4: {  	v14 =	vld [tilespmem:s30+$0xFFFFF800];
	v9 =	vadd.s32 v10, v9  }
0xa5: {  	v10 =	vld [tilespmem:s30+$0xFFFFF900];
	v9 =	vadd.s32 v11, v9  }
0xa6: {  	v11 =	vld [tilespmem:s30+$0xFFFFFA00];
	v9 =	vadd.s32 v12, v9  }
0xa7: {  	v12 =	vld [tilespmem:s30+$0xFFFFFB00];
	v9 =	vadd.s32 v13, v9  }
0xa8: {  	v13 =	vld [tilespmem:s30+$0xFFFFFC00];
	v9 =	vadd.s32 v15, v9  }
0xa9: {  	v15 =	vld [tilespmem:s30+$0xFFFFFD00];
	(xrf0) =	vadd.scan.msk.s32 $0xffff, v9  }
0xaa: {  	v10 =	vadd.s32 v14, v10;
	v14 =	vld [tilespmem:s30+$0xFFFFFE00]  }
0xab: {  	v10 =	vadd.s32 v11, v10;
	v11 =	vld [tilespmem:s30+$0xFFFFFF00]  }
0xac: {  	v10 =	vadd.s32 v12, v10;
	v12 =	vld [tilespmem:s30+$0x0]  }
0xad: {  	v10 =	vadd.s32 v13, v10;
	v13 =	vld [tilespmem:s30+$0x100]  }
0xae: {  	v10 =	vadd.s32 v15, v10;
	v15 =	vld [tilespmem:s30+$0x200]  }
0xaf: {  	v7 =	vand.u32 $0x3FFF, v7;
	v8 =	vand.u32 $0x3FFF, v8;
	v10 =	vadd.s32 v14, v10;
	v14 =	vld [tilespmem:s30+$0x300];
	v16, _, _ =	vpop (xrf0)  }
0xb0: {  	v7 =	vsub.s32 v7, v8;
	v18 =	vld [tilespmem:s30+$0x400];
	v8 =	vadd.s32 v11, v10;
	v11 =	vperm.xlane v16, v2  }
0xb1: {  	v17 =	vimm.s32 $0x0;
	v5 =	vadd.s32 v5, v7;
	v10 =	vld [tilespmem:s30+$0x700];
	v8 =	vadd.s32 v12, v8  }
0xb2: {  	s31 =	simm.s32 $0xF0;
	v7 =	vimm.s32 $0xFFFFFFFF;
	v12 =	vld [tilespmem:s30+$0x500];
	v13 =	vadd.s32 v13, v8;
	v8 =	vadd.s32 v17, v11  }
0xb3: {  	s16 =	simm.s32 $0x4DD0;
	v15 =	vadd.s32 v15, v13;
	v11 =	vld [tilespmem:s30+$0x600];
	v17 =	vmov s31;
	v16 =	vsub.s32 v8, v16  }
0xb4: {  	v13 =	vld [tilespmem:s16+$0xFFFFF800];
	v14 =	vadd.s32 v14, v15;
	v15 =	vshll.u32 v17, $0xE;
	v19 =	vadd.s32 v9, v16  }
0xb5: {  	v17 =	vld [tilespmem:s16+$0xFFFFF900];
	v16 =	vadd.s32 v18, v14;
	v15 =	vor.u32 v3, v15;
	vm0 =	vlt.s32 v19, v5  }
0xb6: {  	s15 =	simm.s32 $0xE0;
	s17 =	simm.s32 $0xC0;
	s14 =	simm.s32 $0xD0;
	v18 =	vld [tilespmem:s16+$0xFFFFFA00];
	v14 =	vor.u32 v15, v9;
	v15 =	vor.u32 v15, v19;
	v9 =	vimm.s32 $0xFFFFFFFF  }
.LBB2_12:
0xb7: {  	p0 =	sne.s32 s17, $0x0;
	v19 =	vld [tilespmem:s16+$0xFFFFFB00];
	v12 =	vadd.s32 v12, v16;
	v14 =	vsel vm0, $0xFFFFFFFF, v14;
	v15 =	vsel vm0, $0xFFFFFFFF, v15  }
0xb8: {  	v16 =	vld [tilespmem:s16+$0xFFFFFC00];
	v11 =	vadd.s32 v11, v12;
	vm0 =	vgt.s32 v7, v14;
	vm1 =	vgt.s32 v9, v15  }
0xb9: {  	v12 =	vld [tilespmem:s16+$0xFFFFFD00];
	v20 =	vadd.s32 v10, v11;
	v7 =	vsel vm0, v7, v14;
	v9 =	vsel vm1, v9, v15  }
0xba: {  	v10 =	vadd.s32 v13, v17;
	v11 =	vld [tilespmem:s16+$0xFFFFFE00];
	(xrf0) =	vadd.scan.msk.s32 $0xffff, v20  }
0xbb: {  	v10 =	vadd.s32 v18, v10;
	v13 =	vld [tilespmem:s16+$0xFFFFFF00]  }
0xbc: {  	v10 =	vadd.s32 v19, v10;
	v14 =	vld [tilespmem:s16+$0x0]  }
0xbd: {  	v10 =	vadd.s32 v16, v10;
	v15 =	vld [tilespmem:s16+$0x100]  }
0xbe: {  	v10 =	vadd.s32 v12, v10;
	v16 =	vld [tilespmem:s16+$0x200]  }
0xbf: {  	v10 =	vadd.s32 v11, v10;
	v17 =	vld [tilespmem:s16+$0x300]  }
0xc0: {  	v10 =	vadd.s32 v13, v10;
	v18 =	vld [tilespmem:s16+$0x400];
	v19, _, _ =	vpop (xrf0)  }
0xc1: {  	v11 =	vadd.s32 v14, v10;
	v10 =	vld [tilespmem:s16+$0x700];
	v13 =	vperm.xlane v19, v2  }
.Ltmp5:
0xc2: {  	v11 =	vadd.s32 v15, v11;
	v12 =	vld [tilespmem:s16+$0x500];
	(pc) =	sbr.rel @p0 .LBB2_12-.Ltmp5, $4  }
0xc3: {  	v15 =	vmov s15;
	s15 =	smov.u32 s14;
	s14 =	smov.u32 s17;
	v14 =	vadd.s32 v16, v11;
	v11 =	vld [tilespmem:s16+$0x600];
	s16 =	sadd.s32 $0xFFFFFFF0, s16;
	v8 =	vadd.s32 v8, v13  }
0xc4: {  	v15 =	vshll.u32 v15, $0xE;
	v13 =	vld [tilespmem:s16+$0xFFFFF800];
	v14 =	vadd.s32 v17, v14;
	v19 =	vsub.s32 v8, v19  }
0xc5: {  	v15 =	vor.u32 v3, v15;
	v17 =	vld [tilespmem:s16+$0xFFFFF900];
	v16 =	vadd.s32 v18, v14;
	v19 =	vadd.s32 v20, v19  }
0xc6: {  	s17 =	sadd.s32 $0xFFFFFFF0, s17;
	v14 =	vor.u32 v15, v20;
	v18 =	vld [tilespmem:s16+$0xFFFFFA00];
	vm0 =	vlt.s32 v19, v5;
	v15 =	vor.u32 v15, v19  }
0xc7: {  	v19 =	vld [tilespmem:s16+$0xFFFFFB00]  }
0xc8: {  	v20 =	vld [tilespmem:s16+$0xFFFFFC00]  }
0xc9: {  	v21 =	vld [tilespmem:s16+$0xFFFFFD00]  }
0xca: {  	v45 =	vld [tilespmem:s16+$0xFFFFFE00];
	v13 =	vadd.s32 v13, v17  }
0xcb: {  	v46 =	vld [tilespmem:s16+$0xFFFFFF00];
	v13 =	vadd.s32 v18, v13  }
0xcc: {  	v47 =	vld [tilespmem:s16+$0x0];
	v13 =	vadd.s32 v19, v13  }
0xcd: {  	v48 =	vld [tilespmem:s16+$0x100];
	v13 =	vadd.s32 v20, v13  }
0xce: {  	v49 =	vld [tilespmem:s16+$0x200];
	v13 =	vadd.s32 v21, v13  }
0xcf: {  	v50 =	vld [tilespmem:s16+$0x300];
	v13 =	vadd.s32 v45, v13  }
0xd0: {  	v51 =	vld [tilespmem:s16+$0x400];
	v13 =	vadd.s32 v46, v13  }
0xd1: {  	v52 =	vld [tilespmem:s16+$0x500];
	v13 =	vadd.s32 v47, v13  }
0xd2: {  	v12 =	vadd.s32 v12, v16;
	v53 =	vld [tilespmem:s16+$0x600];
	v13 =	vadd.s32 v48, v13  }
0xd3: {  	v55 =	vld [tilespmem:s16+$0x700];
	v11 =	vadd.s32 v11, v12;
	v54 =	vadd.s32 v49, v13  }
0xd4: {  	v10 =	vadd.s32 v10, v11;
	v11 =	vadd.s32 v50, v54  }
0xd5: {  	(xrf0) =	vadd.scan.msk.s32 $0xffff, v10;
	v11 =	vadd.s32 v51, v11  }
0xd6: {  	v11 =	vadd.s32 v52, v11  }
0xd7: {  	v11 =	vadd.s32 v53, v11  }
0xd8: {  	v11 =	vadd.s32 v55, v11  }
0xd9: {  	(xrf0) =	vadd.scan.msk.s32 $0xffff, v11;
	_ =	sdelay $0x1  }
0xda: {  	v56, _, _ =	vpop (xrf0)  }
0xdb: {  	v57 =	vsel vm0, $0xFFFFFFFF, v14;
	v59 =	vperm.xlane v56, v2  }
0xdc: {  	v58 =	vsel vm0, $0xFFFFFFFF, v15;
	v60 =	vmov s15;
	v63 =	vmov s14  }
0xdd: {  	vm11 =	vgt.s32 v7, v57;
	vm1 =	vgt.s32 v9, v58;
	v8 =	vadd.s32 v8, v59  }
0xde: {  	v7 =	vsel vm11, v7, v57;
	v13 =	vshll.u32 v60, $0xE;
	v12 =	vsub.s32 v8, v56;
	v61, _, _ =	vpop (xrf0)  }
0xdf: {  	v13 =	vor.u32 v3, v13;
	v12 =	vadd.s32 v10, v12;
	v62 =	vperm.xlane v61, v2  }
0xe0: {  	v9 =	vsel vm1, v9, v58;
	v10 =	vor.u32 v13, v10;
	vm12 =	vlt.s32 v12, v5  }
0xe1: {  	v12 =	vor.u32 v13, v12;
	v13 =	vshll.u32 v63, $0xE;
	v8 =	vadd.s32 v8, v62  }
0xe2: {  	v10 =	vsel vm12, $0xFFFFFFFF, v10;
	v12 =	vsel vm12, $0xFFFFFFFF, v12;
	v8 =	vsub.s32 v8, v61  }
0xe3: {  	v13 =	vor.u32 v3, v13;
	vm13 =	vgt.s32 v7, v10;
	v8 =	vadd.s32 v11, v8  }
0xe4: {  	v7 =	vsel vm13, v7, v10;
	v10 =	vor.u32 v13, v11;
	vm14 =	vlt.s32 v8, v5  }
0xe5: {  	vm1 =	vgt.s32 v9, v12;
	v8 =	vor.u32 v13, v8;
	v10 =	vsel vm14, $0xFFFFFFFF, v10  }
0xe6: {  	v9 =	vsel vm1, v9, v12;
	v8 =	vsel vm14, $0xFFFFFFFF, v8;
	vm15 =	vgt.s32 v7, v10  }
0xe7: {  	vm1 =	vgt.s32 v9, v8;
	v7 =	vsel vm15, v7, v10  }
0xe8: {  	v8 =	vsel vm1, v9, v8;
	v7 =	vxor.u32 $0x80000000, v7  }
0xe9: {  	(xrf0) =	vmax.scan.msk.u32 $0xffff, v7;
	v7 =	vxor.u32 $0x80000000, v8  }
0xea: {  	(xrf0) =	vmax.scan.msk.u32 $0xffff, v7;
	_ =	sdelay $0x4  }
0xeb: {  	v7, _, _ =	vpop (xrf0)  }
0xec: {  	v8, _, _ =	vpop (xrf0)  }
0xed: {  	v7 =	vxor.u32 $0x80000000, v7;
	v8 =	vxor.u32 $0x80000000, v8  }
0xee: {  	s14 =	simm.s32 $0x40;
	s15 =	simm.s32 $0x0;
	v7 =	vperm.xlane v7, v2;
	v8 =	vperm.xlane v8, v2  }
.LBB2_14:
0xef: {  	p0 =	sne.s32 s14, $0x3FC0;
	[tilespmem:s15+$0x4500] =	vst v4;
	s15 =	smov.u32 s14;
	s14 =	sadd.s32 $0x40, s14  }
.Ltmp6:
0xf0: {  	(pc) =	sbr.rel @p0 .LBB2_14-.Ltmp6, $2  }
0xf1: {  	_ =	sdelay $0x2  }
0xf2: {  	s15 =	sshra.s32 s15, $0x2  }
0xf3: {  	v9 =	vshll.u32 v7, $0x1  }
0xf4: {  	v6 =	vand.u32 $0xFF800000, v6;
	v9 =	vand.u32 $0xFFFF8000, v9  }
0xf5: {  	[tilespmem:s15+$0x4500] =	vst v4;
	s15 =	simm.s32 $0x0;
	s14 =	simm.s32 $0x40;
	v6 =	vor.u32 v6, v9  }
.LBB2_16:
0xf6: {  	p0 =	sne.s32 s14, $0x8840;
	v9 =	vld [tilespmem:s15+$0x0];
	_ =	sdelay $0x4  }
0xf7: {  	v10 =	vxor.u32 v6, v9;
	v9 =	vshrl.u32 v9, $0x7  }
0xf8: {  	vm0 =	vlt.u32 v10, $0x8000;
	v9 =	vand.u32 $0xFF, v9  }
0xf9: {  	v9 =	vor.u32 v0, v9  }
.Ltmp7:
0xfa: {  	(pc) =	sbr.rel @p0 .LBB2_16-.Ltmp7, $2  }
0xfb: {  	_ =	sdelay $0x2  }
0xfc: {  	s15 =	sshra.s32 s14, $0x2;
	s14 =	sadd.s32 $0x40, s14;
	[tilespmem:v9+s11+$0x0] =	vst.idx.add.s32.msk vm0, v1  }
0xfd: {  	v9 =	vld [tilespmem:s15+$0x0];
	_ =	sdelay $0x4  }
0xfe: {  	v10 =	vxor.u32 v6, v9;
	v9 =	vshrl.u32 v9, $0x7  }
0xff: {  	vm0 =	vlt.u32 v10, $0x8000;
	v9 =	vand.u32 $0xFF, v9  }
0x100: {  	v9 =	vor.u32 v0, v9;
	_ =	sdelay $0x4  }
0x101: {  	s14 =	simm.s32 $0x4DF0;
	[tilespmem:v9+s11+$0x0] =	vst.idx.add.s32.msk vm0, v1  }
0x102: {  	v9 =	vld [tilespmem:s14+$0xFFFFF800]  }
0x103: {  	v10 =	vld [tilespmem:s14+$0xFFFFF900]  }
0x104: {  	v11 =	vld [tilespmem:s14+$0xFFFFFA00]  }
0x105: {  	v12 =	vld [tilespmem:s14+$0xFFFFFB00]  }
0x106: {  	v13 =	vld [tilespmem:s14+$0xFFFFFC00]  }
0x107: {  	v14 =	vld [tilespmem:s14+$0xFFFFFD00]  }
0x108: {  	v9 =	vadd.s32 v9, v10;
	v10 =	vld [tilespmem:s14+$0xFFFFFE00]  }
0x109: {  	v9 =	vadd.s32 v11, v9;
	v11 =	vld [tilespmem:s14+$0xFFFFFF00]  }
0x10a: {  	v9 =	vadd.s32 v12, v9;
	v12 =	vld [tilespmem:s14+$0x0]  }
0x10b: {  	v9 =	vadd.s32 v13, v9;
	v13 =	vld [tilespmem:s14+$0x100]  }
0x10c: {  	v9 =	vadd.s32 v14, v9;
	v14 =	vld [tilespmem:s14+$0x200]  }
0x10d: {  	v9 =	vadd.s32 v10, v9;
	v10 =	vld [tilespmem:s14+$0x300]  }
0x10e: {  	v9 =	vadd.s32 v11, v9;
	v11 =	vld [tilespmem:s14+$0x400]  }
0x10f: {  	v9 =	vadd.s32 v12, v9;
	v12 =	vld [tilespmem:s14+$0x500]  }
0x110: {  	v9 =	vadd.s32 v13, v9;
	v13 =	vld [tilespmem:s14+$0x600]  }
0x111: {  	s30 =	simm.s32 $0x4DE0;
	v15 =	vld [tilespmem:s14+$0x700];
	v9 =	vadd.s32 v14, v9  }
0x112: {  	v14 =	vld [tilespmem:s30+$0xFFFFF800];
	v9 =	vadd.s32 v10, v9  }
0x113: {  	v10 =	vld [tilespmem:s30+$0xFFFFF900];
	v9 =	vadd.s32 v11, v9  }
0x114: {  	v11 =	vld [tilespmem:s30+$0xFFFFFA00];
	v9 =	vadd.s32 v12, v9  }
0x115: {  	v12 =	vld [tilespmem:s30+$0xFFFFFB00];
	v9 =	vadd.s32 v13, v9  }
0x116: {  	v13 =	vld [tilespmem:s30+$0xFFFFFC00];
	v9 =	vadd.s32 v15, v9  }
0x117: {  	v15 =	vld [tilespmem:s30+$0xFFFFFD00];
	(xrf0) =	vadd.scan.msk.s32 $0xffff, v9  }
0x118: {  	v10 =	vadd.s32 v14, v10;
	v14 =	vld [tilespmem:s30+$0xFFFFFE00]  }
0x119: {  	v10 =	vadd.s32 v11, v10;
	v11 =	vld [tilespmem:s30+$0xFFFFFF00]  }
0x11a: {  	v10 =	vadd.s32 v12, v10;
	v12 =	vld [tilespmem:s30+$0x0]  }
0x11b: {  	v10 =	vadd.s32 v13, v10;
	v13 =	vld [tilespmem:s30+$0x100]  }
0x11c: {  	v10 =	vadd.s32 v15, v10;
	v15 =	vld [tilespmem:s30+$0x200]  }
0x11d: {  	v7 =	vand.u32 $0x3FFF, v7;
	v8 =	vand.u32 $0x3FFF, v8;
	v10 =	vadd.s32 v14, v10;
	v14 =	vld [tilespmem:s30+$0x300];
	v16, _, _ =	vpop (xrf0)  }
0x11e: {  	v7 =	vsub.s32 v7, v8;
	v18 =	vld [tilespmem:s30+$0x400];
	v8 =	vadd.s32 v11, v10;
	v11 =	vperm.xlane v16, v2  }
0x11f: {  	v17 =	vimm.s32 $0x0;
	v5 =	vadd.s32 v5, v7;
	v10 =	vld [tilespmem:s30+$0x700];
	v8 =	vadd.s32 v12, v8  }
0x120: {  	s31 =	simm.s32 $0xF0;
	v7 =	vimm.s32 $0xFFFFFFFF;
	v12 =	vld [tilespmem:s30+$0x500];
	v13 =	vadd.s32 v13, v8;
	v8 =	vadd.s32 v17, v11  }
0x121: {  	s16 =	simm.s32 $0x4DD0;
	v15 =	vadd.s32 v15, v13;
	v11 =	vld [tilespmem:s30+$0x600];
	v17 =	vmov s31;
	v16 =	vsub.s32 v8, v16  }
0x122: {  	v13 =	vld [tilespmem:s16+$0xFFFFF800];
	v14 =	vadd.s32 v14, v15;
	v15 =	vshll.u32 v17, $0xE;
	v19 =	vadd.s32 v9, v16  }
0x123: {  	v17 =	vld [tilespmem:s16+$0xFFFFF900];
	v16 =	vadd.s32 v18, v14;
	v15 =	vor.u32 v3, v15;
	vm0 =	vlt.s32 v19, v5  }
0x124: {  	s15 =	simm.s32 $0xE0;
	s17 =	simm.s32 $0xC0;
	s14 =	simm.s32 $0xD0;
	v18 =	vld [tilespmem:s16+$0xFFFFFA00];
	v14 =	vor.u32 v15, v9;
	v15 =	vor.u32 v15, v19;
	v9 =	vimm.s32 $0xFFFFFFFF  }
.LBB2_18:
0x125: {  	p0 =	sne.s32 s17, $0x0;
	v19 =	vld [tilespmem:s16+$0xFFFFFB00];
	v12 =	vadd.s32 v12, v16;
	v14 =	vsel vm0, $0xFFFFFFFF, v14;
	v15 =	vsel vm0, $0xFFFFFFFF, v15  }
0x126: {  	v16 =	vld [tilespmem:s16+$0xFFFFFC00];
	v11 =	vadd.s32 v11, v12;
	vm0 =	vgt.s32 v7, v14;
	vm1 =	vgt.s32 v9, v15  }
0x127: {  	v12 =	vld [tilespmem:s16+$0xFFFFFD00];
	v20 =	vadd.s32 v10, v11;
	v7 =	vsel vm0, v7, v14;
	v9 =	vsel vm1, v9, v15  }
0x128: {  	v10 =	vadd.s32 v13, v17;
	v11 =	vld [tilespmem:s16+$0xFFFFFE00];
	(xrf0) =	vadd.scan.msk.s32 $0xffff, v20  }
0x129: {  	v10 =	vadd.s32 v18, v10;
	v13 =	vld [tilespmem:s16+$0xFFFFFF00]  }
0x12a: {  	v10 =	vadd.s32 v19, v10;
	v14 =	vld [tilespmem:s16+$0x0]  }
0x12b: {  	v10 =	vadd.s32 v16, v10;
	v15 =	vld [tilespmem:s16+$0x100]  }
0x12c: {  	v10 =	vadd.s32 v12, v10;
	v16 =	vld [tilespmem:s16+$0x200]  }
0x12d: {  	v10 =	vadd.s32 v11, v10;
	v17 =	vld [tilespmem:s16+$0x300]  }
0x12e: {  	v10 =	vadd.s32 v13, v10;
	v18 =	vld [tilespmem:s16+$0x400];
	v19, _, _ =	vpop (xrf0)  }
0x12f: {  	v11 =	vadd.s32 v14, v10;
	v10 =	vld [tilespmem:s16+$0x700];
	v13 =	vperm.xlane v19, v2  }
.Ltmp8:
0x130: {  	v11 =	vadd.s32 v15, v11;
	v12 =	vld [tilespmem:s16+$0x500];
	(pc) =	sbr.rel @p0 .LBB2_18-.Ltmp8, $4  }
0x131: {  	v15 =	vmov s15;
	s15 =	smov.u32 s14;
	s14 =	smov.u32 s17;
	v14 =	vadd.s32 v16, v11;
	v11 =	vld [tilespmem:s16+$0x600];
	s16 =	sadd.s32 $0xFFFFFFF0, s16;
	v8 =	vadd.s32 v8, v13  }
0x132: {  	v15 =	vshll.u32 v15, $0xE;
	v13 =	vld [tilespmem:s16+$0xFFFFF800];
	v14 =	vadd.s32 v17, v14;
	v19 =	vsub.s32 v8, v19  }
0x133: {  	v15 =	vor.u32 v3, v15;
	v17 =	vld [tilespmem:s16+$0xFFFFF900];
	v16 =	vadd.s32 v18, v14;
	v19 =	vadd.s32 v20, v19  }
0x134: {  	s17 =	sadd.s32 $0xFFFFFFF0, s17;
	v14 =	vor.u32 v15, v20;
	v18 =	vld [tilespmem:s16+$0xFFFFFA00];
	vm0 =	vlt.s32 v19, v5;
	v15 =	vor.u32 v15, v19  }
0x135: {  	v19 =	vld [tilespmem:s16+$0xFFFFFB00]  }
0x136: {  	v20 =	vld [tilespmem:s16+$0xFFFFFC00]  }
0x137: {  	v21 =	vld [tilespmem:s16+$0xFFFFFD00]  }
0x138: {  	v45 =	vld [tilespmem:s16+$0xFFFFFE00];
	v13 =	vadd.s32 v13, v17  }
0x139: {  	v46 =	vld [tilespmem:s16+$0xFFFFFF00];
	v13 =	vadd.s32 v18, v13  }
0x13a: {  	v47 =	vld [tilespmem:s16+$0x0];
	v13 =	vadd.s32 v19, v13  }
0x13b: {  	v48 =	vld [tilespmem:s16+$0x100];
	v13 =	vadd.s32 v20, v13  }
0x13c: {  	v49 =	vld [tilespmem:s16+$0x200];
	v13 =	vadd.s32 v21, v13  }
0x13d: {  	v50 =	vld [tilespmem:s16+$0x300];
	v13 =	vadd.s32 v45, v13  }
0x13e: {  	v51 =	vld [tilespmem:s16+$0x400];
	v13 =	vadd.s32 v46, v13  }
0x13f: {  	v52 =	vld [tilespmem:s16+$0x500];
	v13 =	vadd.s32 v47, v13  }
0x140: {  	v12 =	vadd.s32 v12, v16;
	v53 =	vld [tilespmem:s16+$0x600];
	v13 =	vadd.s32 v48, v13  }
0x141: {  	v55 =	vld [tilespmem:s16+$0x700];
	v11 =	vadd.s32 v11, v12;
	v54 =	vadd.s32 v49, v13  }
0x142: {  	v10 =	vadd.s32 v10, v11;
	v11 =	vadd.s32 v50, v54  }
0x143: {  	(xrf0) =	vadd.scan.msk.s32 $0xffff, v10;
	v11 =	vadd.s32 v51, v11  }
0x144: {  	v11 =	vadd.s32 v52, v11  }
0x145: {  	v11 =	vadd.s32 v53, v11  }
0x146: {  	v11 =	vadd.s32 v55, v11  }
0x147: {  	(xrf0) =	vadd.scan.msk.s32 $0xffff, v11;
	_ =	sdelay $0x1  }
0x148: {  	v56, _, _ =	vpop (xrf0)  }
0x149: {  	v57 =	vsel vm0, $0xFFFFFFFF, v14;
	v59 =	vperm.xlane v56, v2  }
0x14a: {  	v58 =	vsel vm0, $0xFFFFFFFF, v15;
	v60 =	vmov s15;
	v63 =	vmov s14  }
0x14b: {  	vm11 =	vgt.s32 v7, v57;
	vm1 =	vgt.s32 v9, v58;
	v8 =	vadd.s32 v8, v59  }
0x14c: {  	v7 =	vsel vm11, v7, v57;
	v13 =	vshll.u32 v60, $0xE;
	v12 =	vsub.s32 v8, v56;
	v61, _, _ =	vpop (xrf0)  }
0x14d: {  	v13 =	vor.u32 v3, v13;
	v12 =	vadd.s32 v10, v12;
	v62 =	vperm.xlane v61, v2  }
0x14e: {  	v9 =	vsel vm1, v9, v58;
	v10 =	vor.u32 v13, v10;
	vm12 =	vlt.s32 v12, v5  }
0x14f: {  	v12 =	vor.u32 v13, v12;
	v13 =	vshll.u32 v63, $0xE;
	v8 =	vadd.s32 v8, v62  }
0x150: {  	v10 =	vsel vm12, $0xFFFFFFFF, v10;
	v12 =	vsel vm12, $0xFFFFFFFF, v12;
	v8 =	vsub.s32 v8, v61  }
0x151: {  	v13 =	vor.u32 v3, v13;
	vm13 =	vgt.s32 v7, v10;
	v8 =	vadd.s32 v11, v8  }
0x152: {  	v7 =	vsel vm13, v7, v10;
	v10 =	vor.u32 v13, v11;
	vm14 =	vlt.s32 v8, v5  }
0x153: {  	vm1 =	vgt.s32 v9, v12;
	v8 =	vor.u32 v13, v8;
	v10 =	vsel vm14, $0xFFFFFFFF, v10  }
0x154: {  	v9 =	vsel vm1, v9, v12;
	v8 =	vsel vm14, $0xFFFFFFFF, v8;
	vm15 =	vgt.s32 v7, v10  }
0x155: {  	vm1 =	vgt.s32 v9, v8;
	v7 =	vsel vm15, v7, v10  }
0x156: {  	v8 =	vsel vm1, v9, v8;
	v7 =	vxor.u32 $0x80000000, v7  }
0x157: {  	(xrf0) =	vmax.scan.msk.u32 $0xffff, v7;
	v7 =	vxor.u32 $0x80000000, v8  }
0x158: {  	(xrf0) =	vmax.scan.msk.u32 $0xffff, v7;
	_ =	sdelay $0x4  }
0x159: {  	v7, _, _ =	vpop (xrf0)  }
0x15a: {  	v8, _, _ =	vpop (xrf0)  }
0x15b: {  	v7 =	vxor.u32 $0x80000000, v7;
	v8 =	vxor.u32 $0x80000000, v8  }
0x15c: {  	s14 =	simm.s32 $0x40;
	s15 =	simm.s32 $0x0;
	v7 =	vperm.xlane v7, v2;
	v8 =	vperm.xlane v8, v2  }
.LBB2_20:
0x15d: {  	p0 =	sne.s32 s14, $0x3FC0;
	[tilespmem:s15+$0x4500] =	vst v4;
	s15 =	smov.u32 s14;
	s14 =	sadd.s32 $0x40, s14  }
.Ltmp9:
0x15e: {  	(pc) =	sbr.rel @p0 .LBB2_20-.Ltmp9, $2  }
0x15f: {  	_ =	sdelay $0x2  }
0x160: {  	s15 =	sshra.s32 s15, $0x2  }
0x161: {  	v9 =	vshrl.u32 v7, $0x7  }
0x162: {  	v9 =	vand.u32 $0x1FFFF80, v9  }
0x163: {  	[tilespmem:s15+$0x4500] =	vst v4;
	s15 =	simm.s32 $0x0;
	s14 =	simm.s32 $0x40;
	v6 =	vor.u32 v6, v9  }
.LBB2_22:
0x164: {  	p0 =	sne.s32 s14, $0x8840;
	v9 =	vld [tilespmem:s15+$0x0];
	_ =	sdelay $0x4  }
0x165: {  	v10 =	vxor.u32 v6, v9  }
0x166: {  	v9 =	vand.u32 $0x7F, v9;
	vm0 =	vlt.u32 v10, $0x80  }
0x167: {  	v9 =	vor.u32 v0, v9  }
.Ltmp10:
0x168: {  	(pc) =	sbr.rel @p0 .LBB2_22-.Ltmp10, $2  }
0x169: {  	_ =	sdelay $0x2  }
0x16a: {  	s15 =	sshra.s32 s14, $0x2;
	s14 =	sadd.s32 $0x40, s14;
	[tilespmem:v9+s11+$0x0] =	vst.idx.add.s32.msk vm0, v1  }
0x16b: {  	v9 =	vld [tilespmem:s15+$0x0];
	_ =	sdelay $0x4  }
0x16c: {  	v10 =	vxor.u32 v6, v9  }
0x16d: {  	v9 =	vand.u32 $0x7F, v9;
	vm0 =	vlt.u32 v10, $0x80  }
0x16e: {  	v9 =	vor.u32 v0, v9;
	_ =	sdelay $0x4  }
0x16f: {  	s14 =	simm.s32 $0x4DF0;
	[tilespmem:v9+s11+$0x0] =	vst.idx.add.s32.msk vm0, v1  }
0x170: {  	v9 =	vld [tilespmem:s14+$0xFFFFF800]  }
0x171: {  	v10 =	vld [tilespmem:s14+$0xFFFFF900]  }
0x172: {  	v11 =	vld [tilespmem:s14+$0xFFFFFA00]  }
0x173: {  	v12 =	vld [tilespmem:s14+$0xFFFFFB00]  }
0x174: {  	v13 =	vld [tilespmem:s14+$0xFFFFFC00]  }
0x175: {  	v14 =	vld [tilespmem:s14+$0xFFFFFD00]  }
0x176: {  	v9 =	vadd.s32 v9, v10;
	v10 =	vld [tilespmem:s14+$0xFFFFFE00]  }
0x177: {  	v9 =	vadd.s32 v11, v9;
	v11 =	vld [tilespmem:s14+$0xFFFFFF00]  }
0x178: {  	v9 =	vadd.s32 v12, v9;
	v12 =	vld [tilespmem:s14+$0x0]  }
0x179: {  	v9 =	vadd.s32 v13, v9;
	v13 =	vld [tilespmem:s14+$0x100]  }
0x17a: {  	v9 =	vadd.s32 v14, v9;
	v14 =	vld [tilespmem:s14+$0x200]  }
0x17b: {  	v9 =	vadd.s32 v10, v9;
	v10 =	vld [tilespmem:s14+$0x300]  }
0x17c: {  	v9 =	vadd.s32 v11, v9;
	v11 =	vld [tilespmem:s14+$0x400]  }
0x17d: {  	v9 =	vadd.s32 v12, v9;
	v12 =	vld [tilespmem:s14+$0x500]  }
0x17e: {  	v9 =	vadd.s32 v13, v9;
	v13 =	vld [tilespmem:s14+$0x600]  }
0x17f: {  	s30 =	simm.s32 $0x4DE0;
	v15 =	vld [tilespmem:s14+$0x700];
	v9 =	vadd.s32 v14, v9  }
0x180: {  	v14 =	vld [tilespmem:s30+$0xFFFFF800];
	v9 =	vadd.s32 v10, v9  }
0x181: {  	v10 =	vld [tilespmem:s30+$0xFFFFF900];
	v9 =	vadd.s32 v11, v9  }
0x182: {  	v11 =	vld [tilespmem:s30+$0xFFFFFA00];
	v9 =	vadd.s32 v12, v9  }
0x183: {  	v12 =	vld [tilespmem:s30+$0xFFFFFB00];
	v9 =	vadd.s32 v13, v9  }
0x184: {  	v13 =	vld [tilespmem:s30+$0xFFFFFC00];
	v15 =	vadd.s32 v15, v9  }
0x185: {  	v9 =	vld [tilespmem:s30+$0xFFFFFD00];
	(xrf0) =	vadd.scan.msk.s32 $0xffff, v15  }
0x186: {  	v10 =	vadd.s32 v14, v10;
	v14 =	vld [tilespmem:s30+$0xFFFFFE00]  }
0x187: {  	v10 =	vadd.s32 v11, v10;
	v11 =	vld [tilespmem:s30+$0xFFFFFF00]  }
0x188: {  	v10 =	vadd.s32 v12, v10;
	v12 =	vld [tilespmem:s30+$0x0]  }
0x189: {  	v10 =	vadd.s32 v13, v10;
	v13 =	vld [tilespmem:s30+$0x100]  }
0x18a: {  	v16 =	vld [tilespmem:s30+$0x200];
	v9 =	vadd.s32 v9, v10  }
0x18b: {  	v7 =	vand.u32 $0x3FFF, v7;
	v8 =	vand.u32 $0x3FFF, v8;
	v17 =	vld [tilespmem:s30+$0x300];
	v9 =	vadd.s32 v14, v9;
	v14, _, _ =	vpop (xrf0)  }
0x18c: {  	v7 =	vsub.s32 v7, v8;
	v18 =	vld [tilespmem:s30+$0x400];
	v8 =	vadd.s32 v11, v9;
	v9 =	vperm.xlane v14, v2  }
0x18d: {  	v5 =	vadd.s32 v5, v7;
	v10 =	vld [tilespmem:s30+$0x700];
	v11 =	vimm.s32 $0x0;
	v8 =	vadd.s32 v12, v8  }
0x18e: {  	s31 =	simm.s32 $0xF0;
	v7 =	vimm.s32 $0xFFFFFFFF;
	v12 =	vld [tilespmem:s30+$0x500];
	v8 =	vadd.s32 v13, v8;
	v9 =	vadd.s32 v11, v9  }
0x18f: {  	s16 =	simm.s32 $0x4DD0;
	v13 =	vmov s31;
	v8 =	vadd.s32 v16, v8;
	v11 =	vld [tilespmem:s30+$0x600];
	v16 =	vsub.s32 v9, v14  }
0x190: {  	v13 =	vshll.u32 v13, $0xE;
	v14 =	vld [tilespmem:s16+$0xFFFFF800];
	v8 =	vadd.s32 v17, v8;
	v19 =	vadd.s32 v15, v16  }
0x191: {  	v17 =	vld [tilespmem:s16+$0xFFFFF900];
	v16 =	vadd.s32 v18, v8;
	v8 =	vor.u32 v3, v13;
	vm0 =	vlt.s32 v19, v5  }
0x192: {  	s15 =	simm.s32 $0xE0;
	s17 =	simm.s32 $0xC0;
	s14 =	simm.s32 $0xD0;
	v18 =	vld [tilespmem:s16+$0xFFFFFA00];
	v15 =	vor.u32 v8, v15;
	v13 =	vor.u32 v8, v19;
	v8 =	vimm.s32 $0xFFFFFFFF  }
.LBB2_24:
0x193: {  	p0 =	sne.s32 s17, $0x0;
	v19 =	vld [tilespmem:s16+$0xFFFFFB00];
	v12 =	vadd.s32 v12, v16;
	v15 =	vsel vm0, $0xFFFFFFFF, v15;
	v13 =	vsel vm0, $0xFFFFFFFF, v13  }
0x194: {  	v16 =	vld [tilespmem:s16+$0xFFFFFC00];
	v11 =	vadd.s32 v11, v12;
	vm0 =	vgt.s32 v7, v15;
	vm1 =	vgt.s32 v8, v13  }
0x195: {  	v12 =	vld [tilespmem:s16+$0xFFFFFD00];
	v20 =	vadd.s32 v10, v11;
	v7 =	vsel vm0, v7, v15;
	v8 =	vsel vm1, v8, v13  }
0x196: {  	v10 =	vadd.s32 v14, v17;
	v11 =	vld [tilespmem:s16+$0xFFFFFE00];
	(xrf0) =	vadd.scan.msk.s32 $0xffff, v20  }
0x197: {  	v10 =	vadd.s32 v18, v10;
	v13 =	vld [tilespmem:s16+$0xFFFFFF00]  }
0x198: {  	v10 =	vadd.s32 v19, v10;
	v14 =	vld [tilespmem:s16+$0x0]  }
0x199: {  	v10 =	vadd.s32 v16, v10;
	v15 =	vld [tilespmem:s16+$0x100]  }
0x19a: {  	v10 =	vadd.s32 v12, v10;
	v16 =	vld [tilespmem:s16+$0x200]  }
0x19b: {  	v10 =	vadd.s32 v11, v10;
	v17 =	vld [tilespmem:s16+$0x300]  }
0x19c: {  	v10 =	vadd.s32 v13, v10;
	v13 =	vld [tilespmem:s16+$0x400];
	v18, _, _ =	vpop (xrf0)  }
0x19d: {  	v11 =	vadd.s32 v14, v10;
	v10 =	vld [tilespmem:s16+$0x700];
	v14 =	vperm.xlane v18, v2  }
.Ltmp11:
0x19e: {  	v11 =	vadd.s32 v15, v11;
	v12 =	vld [tilespmem:s16+$0x500];
	(pc) =	sbr.rel @p0 .LBB2_24-.Ltmp11, $4  }
0x19f: {  	v15 =	vadd.s32 v16, v11;
	v11 =	vld [tilespmem:s16+$0x600];
	s16 =	sadd.s32 $0xFFFFFFF0, s16;
	v9 =	vadd.s32 v9, v14;
	v16 =	vmov s15;
	s15 =	smov.u32 s14;
	s14 =	smov.u32 s17  }
0x1a0: {  	v14 =	vld [tilespmem:s16+$0xFFFFF800];
	v15 =	vadd.s32 v17, v15;
	v18 =	vsub.s32 v9, v18;
	v19 =	vshll.u32 v16, $0xE  }
0x1a1: {  	v17 =	vld [tilespmem:s16+$0xFFFFF900];
	v16 =	vadd.s32 v13, v15;
	v13 =	vadd.s32 v20, v18;
	v19 =	vor.u32 v3, v19  }
0x1a2: {  	s17 =	sadd.s32 $0xFFFFFFF0, s17;
	v18 =	vld [tilespmem:s16+$0xFFFFFA00];
	vm0 =	vlt.s32 v13, v5;
	v15 =	vor.u32 v19, v20;
	v13 =	vor.u32 v19, v13  }
0x1a3: {  	v19 =	vld [tilespmem:s16+$0xFFFFFB00]  }
0x1a4: {  	v20 =	vld [tilespmem:s16+$0xFFFFFC00]  }
0x1a5: {  	v21 =	vld [tilespmem:s16+$0xFFFFFD00]  }
0x1a6: {  	v52 =	vld [tilespmem:s16+$0xFFFFFE00];
	v14 =	vadd.s32 v14, v17  }
0x1a7: {  	v53 =	vld [tilespmem:s16+$0xFFFFFF00];
	v14 =	vadd.s32 v18, v14  }
0x1a8: {  	v54 =	vld [tilespmem:s16+$0x0];
	v14 =	vadd.s32 v19, v14  }
0x1a9: {  	v55 =	vld [tilespmem:s16+$0x100];
	v14 =	vadd.s32 v20, v14  }
0x1aa: {  	v56 =	vld [tilespmem:s16+$0x200];
	v14 =	vadd.s32 v21, v14  }
0x1ab: {  	v57 =	vld [tilespmem:s16+$0x300];
	v14 =	vadd.s32 v52, v14  }
0x1ac: {  	v58 =	vld [tilespmem:s16+$0x400];
	v14 =	vadd.s32 v53, v14  }
0x1ad: {  	v59 =	vld [tilespmem:s16+$0x500];
	v14 =	vadd.s32 v54, v14  }
0x1ae: {  	v60 =	vld [tilespmem:s16+$0x600];
	v14 =	vadd.s32 v55, v14  }
0x1af: {  	v12 =	vadd.s32 v12, v16;
	v61 =	vld [tilespmem:s16+$0x700];
	v14 =	vadd.s32 v56, v14  }
0x1b0: {  	v11 =	vadd.s32 v11, v12;
	v12 =	vadd.s32 v57, v14  }
0x1b1: {  	v10 =	vadd.s32 v10, v11;
	v11 =	vadd.s32 v58, v12  }
0x1b2: {  	v11 =	vadd.s32 v59, v11  }
0x1b3: {  	(xrf0) =	vadd.scan.msk.s32 $0xffff, v10;
	v11 =	vadd.s32 v60, v11  }
0x1b4: {  	v11 =	vadd.s32 v61, v11  }
0x1b5: {  	(xrf0) =	vadd.scan.msk.s32 $0xffff, v11;
	_ =	sdelay $0x3  }
0x1b6: {  	v15 =	vsel vm0, $0xFFFFFFFF, v15;
	v12, _, _ =	vpop (xrf0)  }
0x1b7: {  	vm1 =	vgt.s32 v7, v15;
	v14 =	vperm.xlane v12, v2  }
0x1b8: {  	v7 =	vsel vm1, v7, v15;
	v15 =	vmov s14;
	v62, _, _ =	vpop (xrf0)  }
0x1b9: {  	v9 =	vadd.s32 v9, v14;
	v14 =	vmov s15;
	v63 =	vperm.xlane v62, v2  }
0x1ba: {  	v15 =	vshll.u32 v15, $0xE;
	v12 =	vsub.s32 v9, v12;
	v14 =	vshll.u32 v14, $0xE  }
0x1bb: {  	v12 =	vadd.s32 v10, v12;
	v14 =	vor.u32 v3, v14;
	v9 =	vadd.s32 v9, v63  }
0x1bc: {  	vm1 =	vlt.s32 v12, v5;
	v10 =	vor.u32 v14, v10;
	v9 =	vsub.s32 v9, v62  }
0x1bd: {  	v15 =	vor.u32 v3, v15;
	v10 =	vsel vm1, $0xFFFFFFFF, v10;
	v9 =	vadd.s32 v11, v9  }
0x1be: {  	vm2 =	vgt.s32 v7, v10;
	v11 =	vor.u32 v15, v11;
	vm3 =	vlt.s32 v9, v5  }
0x1bf: {  	v7 =	vsel vm2, v7, v10;
	v10 =	vsel vm3, $0xFFFFFFFF, v11  }
0x1c0: {  	vm2 =	vgt.s32 v7, v10  }
0x1c1: {  	v7 =	vsel vm2, v7, v10  }
0x1c2: {  	v10 =	vsel vm0, $0xFFFFFFFF, v13;
	v7 =	vxor.u32 $0x80000000, v7  }
0x1c3: {  	v11 =	vor.u32 v14, v12;
	vm0 =	vgt.s32 v8, v10;
	(xrf0) =	vmax.scan.msk.u32 $0xffff, v7  }
0x1c4: {  	v7 =	vsel vm0, v8, v10;
	v8 =	vsel vm1, $0xFFFFFFFF, v11  }
0x1c5: {  	v9 =	vor.u32 v15, v9;
	vm0 =	vgt.s32 v7, v8  }
0x1c6: {  	v7 =	vsel vm0, v7, v8;
	v8 =	vsel vm3, $0xFFFFFFFF, v9;
	_ =	sdelay $0x1  }
0x1c7: {  	vm0 =	vgt.s32 v7, v8  }
0x1c8: {  	s30 =	simm.s32 $0x0;
	v7 =	vsel vm0, v7, v8;
	v8, _, _ =	vpop (xrf0)  }
0x1c9: {  	v10 =	vld [tilespmem:s30+$0x0];
	v7 =	vxor.u32 $0x80000000, v7;
	v8 =	vxor.u32 $0x80000000, v8  }
0x1ca: {  	(xrf0) =	vmax.scan.msk.u32 $0xffff, v7;
	v8 =	vperm.xlane v8, v2;
	_ =	sdelay $0x1  }
0x1cb: {  	v7 =	vshrl.u32 v8, $0xE  }
0x1cc: {  	v6 =	vor.u32 v6, v7  }
0x1cd: {  	vm0 =	veq.s32 v10, v6  }
0x1ce: {  	v9 =	vsel vm0, $0x1, v4  }
0x1cf: {  	s31 =	simm.s32 $0x10;
	v7, _, _ =	vpop (xrf0);
	(xrf0) =	vadd.scan.msk.s32 $0xffff, v9  }
0x1d0: {  	v11 =	vxor.u32 $0x80000000, v7;
	v7 =	vld [tilespmem:s31+$0x0]  }
0x1d1: {  	v9 =	vperm.xlane v11, v2  }
0x1d2: {  	v8 =	vand.u32 $0x3FFF, v8  }
0x1d3: {  	v5 =	vadd.s32 v5, v8;
	vm0 =	vmmov vm0;
	v9 =	vand.u32 $0x3FFF, v9  }
0x1d4: {  	v8 =	vsel vm0, $0xFFFFFFFF, v4;
	v11 =	vld [tilespmem:s30+$0x2280];
	v5 =	vsub.s32 v5, v9;
	v9 =	vimm.s32 $0x0  }
0x1d5: {  	s14 =	simm.s32 $0x20;
	vm1 =	veq.s32 v7, v6;
	v8 =	vadd.s32 v8, v9;
	v14, _, _ =	vpop (xrf0)  }
0x1d6: {  	vm3 =	vgt.s32 v10, v6;
	v13 =	vsel vm1, $0x1, v4;
	v10 =	vadd.s32 v14, v8;
	v8 =	vld [tilespmem:s14+$0x0]  }
0x1d7: {  	(xrf0) =	vadd.scan.msk.s32 $0xffff, v13  }
0x1d8: {  	v12 =	vimm.f32 $0.0e+00;
	vm2 =	vmmov vm0  }
0x1d9: {  	vm0 =	vmmov vm1;
	v14 =	vnsel vm3, $0x0, v11;
	vm1 =	vlt.s32 v10, v5  }
0x1da: {  	s15 =	simm.s32 $0xC0;
	v13 =	vmpcnt.ones.xlane vm2;
	v10 =	vld [tilespmem:s31+$0x2280];
	v12 =	vadd.f32 v14, v12;
	vm1 =	vmand vm2, vm1  }
.LBB2_26:
0x1db: {  	s16 =	sshra.s32 s15, $0x2;
	p0 =	sne.s32 s15, $0x8840;
	s15 =	sadd.s32 $0x40, s15;
	vm2 =	veq.s32 v8, v6;
	v14 =	vsel vm0, $0xFFFFFFFF, v4;
	v11 =	vnsel vm1, $0x0, v11;
	v15 =	vmovc v8  }
.Ltmp12:
0x1dc: {  	v8 =	vld [tilespmem:s16+$0x0];
	v16 =	vsel vm2, $0x1, v4;
	v12 =	vadd.f32 v11, v12;
	v9 =	vadd.s32 v9, v13;
	(pc) =	sbr.rel @p0 .LBB2_26-.Ltmp12, $4  }
0x1dd: {  	vm3 =	vmmov vm0;
	vm0 =	vmmov vm2;
	(xrf0) =	vadd.scan.msk.s32 $0xffff, v16;
	v16 =	vadd.s32 v14, v9;
	v13, _, _ =	vpop (xrf0)  }
0x1de: {  	vm1 =	vgt.s32 v7, v6;
	v7 =	vmov v15;
	v14 =	vadd.s32 v13, v16  }
0x1df: {  	v13 =	vnsel vm1, $0x0, v10;
	vm1 =	vlt.s32 v14, v5;
	v11 =	vmov v10  }
0x1e0: {  	v10 =	vld [tilespmem:s14+$0x2280];
	v12 =	vadd.f32 v13, v12;
	vm1 =	vmand vm3, vm1;
	v13 =	vmpcnt.ones.xlane vm3;
	s14 =	smov.u32 s16  }
0x1e1: {  	vm2 =	veq.s32 v8, v6  }
0x1e2: {  	v14 =	vsel vm2, $0x1, v4  }
0x1e3: {  	v11 =	vnsel vm1, $0x0, v11;
	(xrf0) =	vadd.scan.msk.s32 $0xffff, v14  }
0x1e4: {  	v55 =	vsel vm0, $0xFFFFFFFF, v4;
	vm10 =	vmmov vm0;
	v9 =	vadd.s32 v9, v13  }
0x1e5: {  	vm11 =	vgt.s32 v7, v6;
	v11 =	vadd.f32 v11, v12;
	v56 =	vadd.s32 v55, v9;
	v57, _, _ =	vpop (xrf0)  }
0x1e6: {  	v59 =	vld [tilespmem:s14+$0x2280];
	v60 =	vmpcnt.ones.xlane vm10;
	vm12 =	vmmov vm2;
	v7 =	vadd.s32 v57, v56  }
0x1e7: {  	v61 =	vsel vm12, $0xFFFFFFFF, v4;
	v58 =	vnsel vm11, $0x0, v10;
	vm13 =	vlt.s32 v7, v5  }
0x1e8: {  	v9 =	vadd.s32 v9, v60;
	v7 =	vadd.f32 v58, v11;
	vm0 =	vmand vm10, vm13  }
0x1e9: {  	v9 =	vadd.s32 v61, v9;
	v62 =	vnsel vm0, $0x0, v10;
	v63, _, _ =	vpop (xrf0)  }
0x1ea: {  	vm14 =	vgt.s32 v8, v6;
	v7 =	vadd.f32 v62, v7;
	v6 =	vadd.s32 v63, v9  }
0x1eb: {  	vm1 =	vmmov vm12;
	v8 =	vnsel vm14, $0x0, v59;
	vm15 =	vlt.s32 v6, v5  }
0x1ec: {  	v5 =	vadd.f32 v8, v7;
	vm0 =	vmand vm1, vm15  }
0x1ed: {  	v6 =	vnsel vm0, $0x0, v59  }
0x1ee: {  	s13 =	sadd.s32 $0x1, s13;
	v5 =	vadd.f32 v6, v5  }
0x1ef: {  	p0 =	sne.s32 s13, s6  }
.Ltmp13:
0x1f0: {  	[tilespmem:$0x5500] =	vst v5;
	(pc) =	sbr.rel @p0 .LBB2_1-.Ltmp13, $4  }
0x1f1: {  	[hbm4b:s5+s2] =	stream.linear.scatter [tilespmem:s12], [sflag:$0x1], $0x80, $0x38;
	[tilespmem:$0x5580] =	vst v63  }
0x1f2: {  	_ =	swait.ge [sflag:s9], $0x80  }
0x1f3: {  	[sflag:s9] =	ssyncset.done $0x0  }
0x1f4: {  	[sflag:s9] =	ssyncadd.s32 $0xFFFFFF80  }
0x1f5: {  	_ =	sfence.sel $0x180000  }
0x1f6: {  	[bflag:$0x0] =	sbarrier.arrive $0xFFFF  }
0x1f7: {  	p0 =	sne.s32 s1, $0x0;
	_ =	strace $0x90000047  }
0x1f8: {  	s0 =	sadd.s32 @!p0 $0x100000, s0;
	[bflag:$0x2] =	sbarrier.arrive $0xFFFF  }
0x1f9: {  	[sflag:s0] =	ssyncadd.tile.s32 @!p0 $0x1;
	_ =	shalt  }
.Lfunc_end2:
_tile_overlayer_lowered:
.L_overlay_start_2:
0x1fa: {  	(tag) =	ssettag $0x2  }
0x1fb: {  	s0 =	rddreg [dreg:$0x0];
	s2 =	stileid.u32  }
0x1fc: {  	s1 =	rddreg [dreg:$0x1];
	p0 =	sne.s32 s2, $0x0  }
0x1fd: {  	s3 =	rddreg [dreg:$0x2];
	[bflag:$0x3] =	sbarrier.arrive $0xFFFF;
	s2 =	simm.s32 @!p0 $0x1C01  }
0x1fe: {  	[timem:s3], [sflag:s2] =	dma.local @!p0 [hbm:s0], s1  }
0x1ff: {  	s0 =	simm.s32 @!p0 $0x1  }
0x200: {  	_ =	swait.ge @!p0 [sflag:s0], s1  }
0x201: {  	s1 =	ssub.s32 @!p0 $0x0, s1;
	[sflag:s0] =	ssyncset.done @!p0 $0x0  }
0x202: {  	[sflag:s0] =	ssyncadd.s32 @!p0 s1  }
0x203: {  	[bflag:$0x3] =	sbarrier.arrive $0xFFFF  }
0x204: {  	_ =	shalt  }

</sc_bundles>
